<compile_context>
chip_gen: v7x
topology: tpu7x:2x2x1
jax: 0.10.2.dev20260603
libtpu: 0.0.44.dev20260713+nightly
codegen_flags: <defaults>
</compile_context>

<pallas_src>
import functools

import jax
import jax.numpy as jnp
from jax import lax
from jax.experimental import pallas as pl
from jax.experimental.pallas import tpu as pltpu
from jax.experimental.pallas import tpu_sc as plsc

_N = 8192
_TILE = 512
_GRID = _N // _TILE

_NC = 2
_NS = 16
_NW = _NC * _NS
_CHUNK = _N // _NW
_G = 128
_D = 16
_GD = 128


def _argmin_body(xp_ref, ytp_ref, ridx_ref, cidx_ref, colpk_ref, rowid_ref):
    i = pl.program_id(0)

    xm2 = xp_ref[:, 0:3]
    yt = ytp_ref[...]

    x2 = 0.25 * jnp.sum(xm2 * xm2, axis=1, keepdims=True)
    y2 = jnp.sum(yt * yt, axis=0, keepdims=True)
    p = jnp.dot(xm2.astype(jnp.bfloat16), yt.astype(jnp.bfloat16),
                preferred_element_type=jnp.float32)
    d2a = (x2 + p) + y2

    bits = lax.bitcast_convert_type(d2a, jnp.int32) & ~0x1FFF
    lane_iota = lax.broadcasted_iota(jnp.int32, (_TILE, _N), 1)
    grow_iota = lax.broadcasted_iota(jnp.int32, (_TILE, _N), 0) + i * _TILE

    rowpk = jnp.min(lax.bitcast_convert_type(bits | lane_iota, jnp.float32),
                    axis=1, keepdims=True)
    rowid = lax.bitcast_convert_type(rowpk, jnp.int32) & 0x1FFF
    rowid_ref[0:1, pl.ds(i * _TILE, _TILE)] = jnp.reshape(rowid, (1, _TILE))

    colpk_t = jnp.min(lax.bitcast_convert_type(bits | grow_iota, jnp.float32),
                      axis=0, keepdims=True)

    @pl.when(i == 0)
    def _init():
        colpk_ref[...] = colpk_t

    @pl.when(i > 0)
    def _acc():
        colpk_ref[...] = jnp.minimum(colpk_ref[...], colpk_t)

    @pl.when(i == _GRID - 1)
    def _fin():
        ridx_ref[...] = jnp.reshape(rowid_ref[...], (_N // 128, 128)) + _N
        cidx_ref[...] = jnp.reshape(
            lax.bitcast_convert_type(colpk_ref[...], jnp.int32) & 0x1FFF,
            (_N // 128, 128))


def _phase1(xp, ytp):
    return pl.pallas_call(
        _argmin_body,
        grid=(_GRID,),
        in_specs=[
            pl.BlockSpec((_TILE, _GD), lambda i: (i, 0)),
            pl.BlockSpec((3, _N), lambda i: (0, 0)),
        ],
        out_specs=[
            pl.BlockSpec((_N // 128, 128), lambda i: (0, 0)),
            pl.BlockSpec((_N // 128, 128), lambda i: (0, 0)),
        ],
        out_shape=[
            jax.ShapeDtypeStruct((_N // 128, 128), jnp.int32),
            jax.ShapeDtypeStruct((_N // 128, 128), jnp.int32),
        ],
        scratch_shapes=[
            pltpu.VMEM((1, _N), jnp.float32),
            pltpu.VMEM((1, _N), jnp.int32),
        ],
    )(xp, ytp)


def _sc_mse_body(zg_hbm, ridx_hbm, cidx_hbm, out_hbm,
                 idx1_v, idx2_v, rows1_v, q1_v,
                 acc_v, shared, res_v, sem):
    cid = lax.axis_index("c")
    sid = lax.axis_index("s")
    wid = cid * _NS + sid
    base = wid * _CHUNK
    ibase = wid * (_CHUNK // _G)

    pltpu.sync_copy(ridx_hbm.at[pl.ds(ibase, _CHUNK // _G)], idx1_v)
    pltpu.sync_copy(cidx_hbm.at[pl.ds(ibase, _CHUNK // _G)], idx2_v)

    acc = jnp.zeros((_D,), jnp.float32)
    for qbase, i_v in ((base, idx1_v), (_N + base, idx2_v)):
        cps = [pltpu.async_copy(zg_hbm.at[pl.ds(qbase, _CHUNK)], q1_v, sem)]
        for j in range(_CHUNK // _G):
            cps.append(pltpu.async_copy(zg_hbm.at[i_v.at[j]],
                                        rows1_v.at[pl.ds(j * _G, _G)], sem))
        for c in cps:
            c.wait()

        def body(r, a):
            d = q1_v[r, 0:_D] - rows1_v[r, 0:_D]
            return a + d * d

        acc = lax.fori_loop(0, _CHUNK, body, acc)
    acc_v[...] = acc

    pltpu.sync_copy(acc_v, shared.at[sid])
    plsc.subcore_barrier()

    @pl.when(sid == 0)
    def _reduce():
        tot = jnp.zeros((_D,), jnp.float32)
        for w in range(_NS):
            pltpu.sync_copy(shared.at[w], acc_v)
            tot = tot + acc_v[...]
        res_v[...] = tot * jnp.float32(0.25 / (_N * 3.0))
        pltpu.sync_copy(res_v, out_hbm.at[cid])


def _phase2(zg, ridx, cidx):
    mesh = plsc.VectorSubcoreMesh(core_axis_name="c", subcore_axis_name="s")
    kern = functools.partial(
        pl.kernel,
        mesh=mesh,
        out_type=jax.ShapeDtypeStruct((_NC, _D), jnp.float32),
        scratch_types=[
            pltpu.VMEM((_CHUNK // _G, _G), jnp.int32),
            pltpu.VMEM((_CHUNK // _G, _G), jnp.int32),
            pltpu.VMEM((_CHUNK, _GD), jnp.float32),
            pltpu.VMEM((_CHUNK, _GD), jnp.float32),
            pltpu.VMEM((_D,), jnp.float32),
            pltpu.VMEM_SHARED((_NS, _D), jnp.float32),
            pltpu.VMEM((_D,), jnp.float32),
            pltpu.SemaphoreType.DMA,
        ],
    )(_sc_mse_body)
    return kern(zg, ridx, cidx)


@jax.jit
def kernel(x, y):
    zg = jnp.pad(jnp.concatenate([-2.0 * x, -2.0 * y], axis=0),
                 ((0, 0), (0, _GD - 3)))
    ytp = y.T
    ridx, cidx = _phase1(zg, ytp)
    out = _phase2(zg, ridx, cidx)
    return jnp.sum(out)

# --- scband reference (transcript-rebuilt; emitter-appended) ---
"""Pipeline reference for scband-original-surface-loss-46583215292517 (READ-ONLY COPY).

The authoritative reference and input builder live on the scoring server;
editing this copy changes nothing except your own understanding.
"""

import jax, jax.numpy as jnp
import numpy as np


def setup_inputs(seed: int = 0) -> dict:
    key = jax.random.key(seed)
    k1, k2 = jax.random.split(key)
    x = jax.random.normal(k1, (8192, 3), dtype=jnp.float32)
    y = jax.random.normal(k2, (8192, 3), dtype=jnp.float32)
    return {"x": x, "y": y}


def _nearest_idx(a, b):
    # For each row of a, index of nearest row in b (squared euclidean).
    a2 = jnp.sum(a * a, axis=1, keepdims=True)      # [Na, 1]
    b2 = jnp.sum(b * b, axis=1)[None, :]            # [1, Nb]
    d2 = a2 - 2.0 * (a @ b.T) + b2                  # [Na, Nb]
    # top-1 nearest neighbor via top_k on negated distances (kNN retrieval)
    _, idx = jax.lax.top_k(-d2, 1)
    return idx[:, 0]


def reference(x, y):
    # SymmetricChamferLoss -> SymmetricMSELoss(x, y, x_nn, y_nn):
    #   x_nn = y.nearest_neighbor(x)  (nearest y-vertex for each x-vertex)
    #   y_nn = x.nearest_neighbor(y)  (nearest x-vertex for each y-vertex)
    #   loss = MSE(x, x_nn) + MSE(y, y_nn)
    x_idx = _nearest_idx(x, y)
    y_idx = _nearest_idx(y, x)
    x_nn = jnp.take(y, x_idx, axis=0)
    y_nn = jnp.take(x, y_idx, axis=0)
    loss = jnp.mean((x - x_nn) ** 2) + jnp.mean((y - y_nn) ** 2)
    return loss

if __name__ == "__main__":
    import jax
    _d = setup_inputs()
    print(jax.jit(kernel)(*tuple(_d.values())))

</pallas_src>

<mosaic_0001>
#map = affine_map<(d0, d1) -> (0, 0)>
module attributes {stable_mosaic.version = 14 : i64} {
  func.func @_sc_mse_body(%arg0: i32, %arg1: i32, %arg2: memref<16384x128xf32, #tpu.memory_space<hbm>>, %arg3: memref<64x128xi32, #tpu.memory_space<hbm>>, %arg4: memref<64x128xi32, #tpu.memory_space<hbm>>, %arg5: memref<2x16xf32, #tpu.memory_space<hbm>>, %arg6: memref<2x128xi32, #tpu.memory_space<vmem>>, %arg7: memref<2x128xi32, #tpu.memory_space<vmem>>, %arg8: memref<256x128xf32, #tpu.memory_space<vmem>>, %arg9: memref<256x128xf32, #tpu.memory_space<vmem>>, %arg10: memref<16xf32, #tpu.memory_space<vmem>>, %arg11: memref<16x16xf32, #tpu.memory_space<vmem_shared>>, %arg12: memref<16xf32, #tpu.memory_space<vmem>>, %arg13: memref<!tpu.dma_semaphore, #tpu.memory_space<semaphore_mem>>) attributes {dimension_semantics = [#tpu.dimension_semantics<core_parallel>, #tpu.dimension_semantics<subcore_parallel>], iteration_bounds = array<i64: 2, 16>, scalar_prefetch = 0 : i64, scratch_operands = 8 : i64, tpu.core_type = #tpu.core_type<sc_vector_subcore>, window_params = [{transform_indices = #map}, {transform_indices = #map}, {transform_indices = #map}, {transform_indices = #map}]} {
    %mul3A = arith.constant 16 : i32
    %mul3A_0 = arith.muli %arg0, %mul3A : i32
    %add3A = arith.addi %mul3A_0, %arg1 : i32
    %mul3A_1 = arith.constant 256 : i32
    %mul3A_2 = arith.muli %add3A, %mul3A_1 : i32
    %mul3A_3 = arith.constant 2 : i32
    %mul3A_4 = arith.muli %add3A, %mul3A_3 : i32
    "tpu.region"() ({
      %run_scoped3A = tpu.sem_alloc : memref<!tpu.dma_semaphore, #tpu.memory_space<semaphore_mem>>
      %dma_start3A_118 = arith.constant 0 : i32
      %dma_start3A_119 = tpu.memref_slice %arg3[%mul3A_4, %dma_start3A_118] : memref<64x128xi32, #tpu.memory_space<hbm>> -> memref<2x128xi32, #tpu.memory_space<hbm>>
      %dma_start3A_120 = arith.constant 0 : i32
      %dma_start3A_121 = tpu.memref_slice %arg3[%mul3A_4, %dma_start3A_120] : memref<64x128xi32, #tpu.memory_space<hbm>> -> memref<2x128xi32, #tpu.memory_space<hbm>>
      tpu.enqueue_dma source(%dma_start3A_121 : memref<2x128xi32, #tpu.memory_space<hbm>>) target(%arg6 : memref<2x128xi32, #tpu.memory_space<vmem>>) target_semaphore(%run_scoped3A : memref<!tpu.dma_semaphore, #tpu.memory_space<semaphore_mem>>)
      %dma_wait3A_122 = arith.constant 0 : i32
      %dma_wait3A_123 = tpu.memref_slice %arg3[%mul3A_4, %dma_wait3A_122] : memref<64x128xi32, #tpu.memory_space<hbm>> -> memref<2x128xi32, #tpu.memory_space<hbm>>
      %dma_wait3A_124 = arith.constant 0 : i32
      %dma_wait3A_125 = tpu.memref_slice %arg3[%mul3A_4, %dma_wait3A_124] : memref<64x128xi32, #tpu.memory_space<hbm>> -> memref<2x128xi32, #tpu.memory_space<hbm>>
      tpu.wait_dma2 semaphore(%run_scoped3A : memref<!tpu.dma_semaphore, #tpu.memory_space<semaphore_mem>>) src(%dma_wait3A_125 : memref<2x128xi32, #tpu.memory_space<hbm>>) dst(%arg6 : memref<2x128xi32, #tpu.memory_space<vmem>>)
      tpu.yield
    }) : () -> ()
    "tpu.region"() ({
      %run_scoped3A = tpu.sem_alloc : memref<!tpu.dma_semaphore, #tpu.memory_space<semaphore_mem>>
      %dma_start3A_118 = arith.constant 0 : i32
      %dma_start3A_119 = tpu.memref_slice %arg4[%mul3A_4, %dma_start3A_118] : memref<64x128xi32, #tpu.memory_space<hbm>> -> memref<2x128xi32, #tpu.memory_space<hbm>>
      %dma_start3A_120 = arith.constant 0 : i32
      %dma_start3A_121 = tpu.memref_slice %arg4[%mul3A_4, %dma_start3A_120] : memref<64x128xi32, #tpu.memory_space<hbm>> -> memref<2x128xi32, #tpu.memory_space<hbm>>
      tpu.enqueue_dma source(%dma_start3A_121 : memref<2x128xi32, #tpu.memory_space<hbm>>) target(%arg7 : memref<2x128xi32, #tpu.memory_space<vmem>>) target_semaphore(%run_scoped3A : memref<!tpu.dma_semaphore, #tpu.memory_space<semaphore_mem>>)
      %dma_wait3A_122 = arith.constant 0 : i32
      %dma_wait3A_123 = tpu.memref_slice %arg4[%mul3A_4, %dma_wait3A_122] : memref<64x128xi32, #tpu.memory_space<hbm>> -> memref<2x128xi32, #tpu.memory_space<hbm>>
      %dma_wait3A_124 = arith.constant 0 : i32
      %dma_wait3A_125 = tpu.memref_slice %arg4[%mul3A_4, %dma_wait3A_124] : memref<64x128xi32, #tpu.memory_space<hbm>> -> memref<2x128xi32, #tpu.memory_space<hbm>>
      tpu.wait_dma2 semaphore(%run_scoped3A : memref<!tpu.dma_semaphore, #tpu.memory_space<semaphore_mem>>) src(%dma_wait3A_125 : memref<2x128xi32, #tpu.memory_space<hbm>>) dst(%arg7 : memref<2x128xi32, #tpu.memory_space<vmem>>)
      tpu.yield
    }) : () -> ()
    %broadcast_in_dim3A = arith.constant 0.000000e+00 : f32
    %broadcast_in_dim3A_5 = vector.broadcast %broadcast_in_dim3A : f32 to vector<16xf32>
    %add3A_6 = arith.constant 8192 : i32
    %add3A_7 = arith.addi %add3A_6, %mul3A_2 : i32
    %dma_start3A = arith.constant 0 : i32
    %dma_start3A_8 = tpu.memref_slice %arg2[%mul3A_2, %dma_start3A] : memref<16384x128xf32, #tpu.memory_space<hbm>> -> memref<256x128xf32, #tpu.memory_space<hbm>>
    %dma_start3A_9 = arith.constant 0 : i32
    %dma_start3A_10 = tpu.memref_slice %arg2[%mul3A_2, %dma_start3A_9] : memref<16384x128xf32, #tpu.memory_space<hbm>> -> memref<256x128xf32, #tpu.memory_space<hbm>>
    tpu.enqueue_dma source(%dma_start3A_10 : memref<256x128xf32, #tpu.memory_space<hbm>>) target(%arg9 : memref<256x128xf32, #tpu.memory_space<vmem>>) target_semaphore(%arg13 : memref<!tpu.dma_semaphore, #tpu.memory_space<semaphore_mem>>)
    %dma_start3A_11 = arith.constant 0 : i32
    %dma_start3A_12 = arith.constant 0 : i32
    %dma_start3A_13 = arith.constant 0 : i32
    %dma_start3A_14 = tpu.memref_slice %arg8[%dma_start3A_12, %dma_start3A_13] : memref<256x128xf32, #tpu.memory_space<vmem>> -> memref<128x128xf32, #tpu.memory_space<vmem>>
    %dma_start3A_15 = arith.constant 0 : i32
    %dma_start3A_16 = tpu.memref_slice %arg6[%dma_start3A_11, %dma_start3A_15] : memref<2x128xi32, #tpu.memory_space<vmem>> -> memref<1x128xi32, #tpu.memory_space<vmem>>
    %dma_start3A_17 = tpu.memref_squeeze %dma_start3A_16 : memref<1x128xi32, #tpu.memory_space<vmem>> -> memref<128xi32, #tpu.memory_space<vmem>>
    %dma_start3A_18 = arith.constant 0 : i32
    %dma_start3A_19 = arith.constant 0 : i32
    %dma_start3A_20 = tpu.memref_slice %arg2[%dma_start3A_18, %dma_start3A_19] : memref<16384x128xf32, #tpu.memory_space<hbm>> -> memref<16384x128xf32, #tpu.memory_space<hbm>>
    tpu.enqueue_indirect_dma source(%dma_start3A_20 : memref<16384x128xf32, #tpu.memory_space<hbm>>) target(%dma_start3A_14 : memref<128x128xf32, #tpu.memory_space<vmem>>) offsets(%dma_start3A_17 : memref<128xi32, #tpu.memory_space<vmem>>) semaphore(%arg13 : memref<!tpu.dma_semaphore, #tpu.memory_space<semaphore_mem>>)
    %dma_start3A_21 = arith.constant 1 : i32
    %dma_start3A_22 = arith.constant 128 : i32
    %dma_start3A_23 = arith.constant 0 : i32
    %dma_start3A_24 = tpu.memref_slice %arg8[%dma_start3A_22, %dma_start3A_23] : memref<256x128xf32, #tpu.memory_space<vmem>> -> memref<128x128xf32, #tpu.memory_space<vmem>>
    %dma_start3A_25 = arith.constant 0 : i32
    %dma_start3A_26 = tpu.memref_slice %arg6[%dma_start3A_21, %dma_start3A_25] : memref<2x128xi32, #tpu.memory_space<vmem>> -> memref<1x128xi32, #tpu.memory_space<vmem>>
    %dma_start3A_27 = tpu.memref_squeeze %dma_start3A_26 : memref<1x128xi32, #tpu.memory_space<vmem>> -> memref<128xi32, #tpu.memory_space<vmem>>
    %dma_start3A_28 = arith.constant 0 : i32
    %dma_start3A_29 = arith.constant 0 : i32
    %dma_start3A_30 = tpu.memref_slice %arg2[%dma_start3A_28, %dma_start3A_29] : memref<16384x128xf32, #tpu.memory_space<hbm>> -> memref<16384x128xf32, #tpu.memory_space<hbm>>
    tpu.enqueue_indirect_dma source(%dma_start3A_30 : memref<16384x128xf32, #tpu.memory_space<hbm>>) target(%dma_start3A_24 : memref<128x128xf32, #tpu.memory_space<vmem>>) offsets(%dma_start3A_27 : memref<128xi32, #tpu.memory_space<vmem>>) semaphore(%arg13 : memref<!tpu.dma_semaphore, #tpu.memory_space<semaphore_mem>>)
    %dma_wait3A = arith.constant 0 : i32
    %dma_wait3A_31 = tpu.memref_slice %arg2[%mul3A_2, %dma_wait3A] : memref<16384x128xf32, #tpu.memory_space<hbm>> -> memref<256x128xf32, #tpu.memory_space<hbm>>
    %dma_wait3A_32 = arith.constant 0 : i32
    %dma_wait3A_33 = tpu.memref_slice %arg2[%mul3A_2, %dma_wait3A_32] : memref<16384x128xf32, #tpu.memory_space<hbm>> -> memref<256x128xf32, #tpu.memory_space<hbm>>
    tpu.wait_dma2 semaphore(%arg13 : memref<!tpu.dma_semaphore, #tpu.memory_space<semaphore_mem>>) src(%dma_wait3A_33 : memref<256x128xf32, #tpu.memory_space<hbm>>) dst(%arg9 : memref<256x128xf32, #tpu.memory_space<vmem>>)
    %dma_wait3A_34 = arith.constant 0 : i32
    %dma_wait3A_35 = arith.constant 0 : i32
    %dma_wait3A_36 = arith.constant 0 : i32
    %dma_wait3A_37 = tpu.memref_slice %arg8[%dma_wait3A_35, %dma_wait3A_36] : memref<256x128xf32, #tpu.memory_space<vmem>> -> memref<128x128xf32, #tpu.memory_space<vmem>>
    %dma_wait3A_38 = arith.constant 0 : i32
    %dma_wait3A_39 = tpu.memref_slice %arg6[%dma_wait3A_34, %dma_wait3A_38] : memref<2x128xi32, #tpu.memory_space<vmem>> -> memref<1x128xi32, #tpu.memory_space<vmem>>
    %dma_wait3A_40 = tpu.memref_squeeze %dma_wait3A_39 : memref<1x128xi32, #tpu.memory_space<vmem>> -> memref<128xi32, #tpu.memory_space<vmem>>
    %dma_wait3A_41 = arith.constant 0 : i32
    %dma_wait3A_42 = arith.constant 0 : i32
    %dma_wait3A_43 = tpu.memref_slice %arg2[%dma_wait3A_41, %dma_wait3A_42] : memref<16384x128xf32, #tpu.memory_space<hbm>> -> memref<16384x128xf32, #tpu.memory_space<hbm>>
    tpu.wait_indirect_dma semaphore(%arg13 : memref<!tpu.dma_semaphore, #tpu.memory_space<semaphore_mem>>) src(%dma_wait3A_43 : memref<16384x128xf32, #tpu.memory_space<hbm>>) dst(%dma_wait3A_37 : memref<128x128xf32, #tpu.memory_space<vmem>>)
    %dma_wait3A_44 = arith.constant 1 : i32
    %dma_wait3A_45 = arith.constant 128 : i32
    %dma_wait3A_46 = arith.constant 0 : i32
    %dma_wait3A_47 = tpu.memref_slice %arg8[%dma_wait3A_45, %dma_wait3A_46] : memref<256x128xf32, #tpu.memory_space<vmem>> -> memref<128x128xf32, #tpu.memory_space<vmem>>
    %dma_wait3A_48 = arith.constant 0 : i32
    %dma_wait3A_49 = tpu.memref_slice %arg6[%dma_wait3A_44, %dma_wait3A_48] : memref<2x128xi32, #tpu.memory_space<vmem>> -> memref<1x128xi32, #tpu.memory_space<vmem>>
    %dma_wait3A_50 = tpu.memref_squeeze %dma_wait3A_49 : memref<1x128xi32, #tpu.memory_space<vmem>> -> memref<128xi32, #tpu.memory_space<vmem>>
    %dma_wait3A_51 = arith.constant 0 : i32
    %dma_wait3A_52 = arith.constant 0 : i32
    %dma_wait3A_53 = tpu.memref_slice %arg2[%dma_wait3A_51, %dma_wait3A_52] : memref<16384x128xf32, #tpu.memory_space<hbm>> -> memref<16384x128xf32, #tpu.memory_space<hbm>>
    tpu.wait_indirect_dma semaphore(%arg13 : memref<!tpu.dma_semaphore, #tpu.memory_space<semaphore_mem>>) src(%dma_wait3A_53 : memref<16384x128xf32, #tpu.memory_space<hbm>>) dst(%dma_wait3A_47 : memref<128x128xf32, #tpu.memory_space<vmem>>)
    %scan3A = arith.constant 0 : i32
    %scan3A_54 = arith.constant 256 : i32
    %scan3A_55 = arith.addi %scan3A, %scan3A_54 : i32
    %scan3A_56 = arith.constant 1 : i32
    %scan3A_57 = scf.for %scan3A_118 = %scan3A to %scan3A_55 step %scan3A_56 iter_args(%scan3A_119 = %broadcast_in_dim3A_5) -> (vector<16xf32>)  : i32 {
      %get3A = arith.index_cast %scan3A_118 : i32 to index
      %get3A_120 = arith.constant 0 : index
      %get3A_121 = tpu.vector_load %arg9[%get3A, %get3A_120] {strides = array<i32>} : memref<256x128xf32, #tpu.memory_space<vmem>>, vector<1x16xf32>,
      %get3A_122 = vector.shape_cast %get3A_121 : vector<1x16xf32> to vector<16xf32>
      %get3A_123 = arith.index_cast %scan3A_118 : i32 to index
      %get3A_124 = arith.constant 0 : index
      %get3A_125 = tpu.vector_load %arg8[%get3A_123, %get3A_124] {strides = array<i32>} : memref<256x128xf32, #tpu.memory_space<vmem>>, vector<1x16xf32>,
      %get3A_126 = vector.shape_cast %get3A_125 : vector<1x16xf32> to vector<16xf32>
      %sub3A = arith.subf %get3A_122, %get3A_126 : vector<16xf32>
      %mul3A_127 = arith.mulf %sub3A, %sub3A : vector<16xf32>
      %add3A_128 = arith.addf %scan3A_119, %mul3A_127 : vector<16xf32>
      scf.yield %add3A_128 : vector<16xf32>
    }
    %scan3A_58 = arith.constant 256 : i32
    %dma_start3A_59 = arith.constant 0 : i32
    %dma_start3A_60 = tpu.memref_slice %arg2[%add3A_7, %dma_start3A_59] : memref<16384x128xf32, #tpu.memory_space<hbm>> -> memref<256x128xf32, #tpu.memory_space<hbm>>
    %dma_start3A_61 = arith.constant 0 : i32
    %dma_start3A_62 = tpu.memref_slice %arg2[%add3A_7, %dma_start3A_61] : memref<16384x128xf32, #tpu.memory_space<hbm>> -> memref<256x128xf32, #tpu.memory_space<hbm>>
    tpu.enqueue_dma source(%dma_start3A_62 : memref<256x128xf32, #tpu.memory_space<hbm>>) target(%arg9 : memref<256x128xf32, #tpu.memory_space<vmem>>) target_semaphore(%arg13 : memref<!tpu.dma_semaphore, #tpu.memory_space<semaphore_mem>>)
    %dma_start3A_63 = arith.constant 0 : i32
    %dma_start3A_64 = arith.constant 0 : i32
    %dma_start3A_65 = arith.constant 0 : i32
    %dma_start3A_66 = tpu.memref_slice %arg8[%dma_start3A_64, %dma_start3A_65] : memref<256x128xf32, #tpu.memory_space<vmem>> -> memref<128x128xf32, #tpu.memory_space<vmem>>
    %dma_start3A_67 = arith.constant 0 : i32
    %dma_start3A_68 = tpu.memref_slice %arg7[%dma_start3A_63, %dma_start3A_67] : memref<2x128xi32, #tpu.memory_space<vmem>> -> memref<1x128xi32, #tpu.memory_space<vmem>>
    %dma_start3A_69 = tpu.memref_squeeze %dma_start3A_68 : memref<1x128xi32, #tpu.memory_space<vmem>> -> memref<128xi32, #tpu.memory_space<vmem>>
    %dma_start3A_70 = arith.constant 0 : i32
    %dma_start3A_71 = arith.constant 0 : i32
    %dma_start3A_72 = tpu.memref_slice %arg2[%dma_start3A_70, %dma_start3A_71] : memref<16384x128xf32, #tpu.memory_space<hbm>> -> memref<16384x128xf32, #tpu.memory_space<hbm>>
    tpu.enqueue_indirect_dma source(%dma_start3A_72 : memref<16384x128xf32, #tpu.memory_space<hbm>>) target(%dma_start3A_66 : memref<128x128xf32, #tpu.memory_space<vmem>>) offsets(%dma_start3A_69 : memref<128xi32, #tpu.memory_space<vmem>>) semaphore(%arg13 : memref<!tpu.dma_semaphore, #tpu.memory_space<semaphore_mem>>)
    %dma_start3A_73 = arith.constant 1 : i32
    %dma_start3A_74 = arith.constant 128 : i32
    %dma_start3A_75 = arith.constant 0 : i32
    %dma_start3A_76 = tpu.memref_slice %arg8[%dma_start3A_74, %dma_start3A_75] : memref<256x128xf32, #tpu.memory_space<vmem>> -> memref<128x128xf32, #tpu.memory_space<vmem>>
    %dma_start3A_77 = arith.constant 0 : i32
    %dma_start3A_78 = tpu.memref_slice %arg7[%dma_start3A_73, %dma_start3A_77] : memref<2x128xi32, #tpu.memory_space<vmem>> -> memref<1x128xi32, #tpu.memory_space<vmem>>
    %dma_start3A_79 = tpu.memref_squeeze %dma_start3A_78 : memref<1x128xi32, #tpu.memory_space<vmem>> -> memref<128xi32, #tpu.memory_space<vmem>>
    %dma_start3A_80 = arith.constant 0 : i32
    %dma_start3A_81 = arith.constant 0 : i32
    %dma_start3A_82 = tpu.memref_slice %arg2[%dma_start3A_80, %dma_start3A_81] : memref<16384x128xf32, #tpu.memory_space<hbm>> -> memref<16384x128xf32, #tpu.memory_space<hbm>>
    tpu.enqueue_indirect_dma source(%dma_start3A_82 : memref<16384x128xf32, #tpu.memory_space<hbm>>) target(%dma_start3A_76 : memref<128x128xf32, #tpu.memory_space<vmem>>) offsets(%dma_start3A_79 : memref<128xi32, #tpu.memory_space<vmem>>) semaphore(%arg13 : memref<!tpu.dma_semaphore, #tpu.memory_space<semaphore_mem>>)
    %dma_wait3A_83 = arith.constant 0 : i32
    %dma_wait3A_84 = tpu.memref_slice %arg2[%add3A_7, %dma_wait3A_83] : memref<16384x128xf32, #tpu.memory_space<hbm>> -> memref<256x128xf32, #tpu.memory_space<hbm>>
    %dma_wait3A_85 = arith.constant 0 : i32
    %dma_wait3A_86 = tpu.memref_slice %arg2[%add3A_7, %dma_wait3A_85] : memref<16384x128xf32, #tpu.memory_space<hbm>> -> memref<256x128xf32, #tpu.memory_space<hbm>>
    tpu.wait_dma2 semaphore(%arg13 : memref<!tpu.dma_semaphore, #tpu.memory_space<semaphore_mem>>) src(%dma_wait3A_86 : memref<256x128xf32, #tpu.memory_space<hbm>>) dst(%arg9 : memref<256x128xf32, #tpu.memory_space<vmem>>)
    %dma_wait3A_87 = arith.constant 0 : i32
    %dma_wait3A_88 = arith.constant 0 : i32
    %dma_wait3A_89 = arith.constant 0 : i32
    %dma_wait3A_90 = tpu.memref_slice %arg8[%dma_wait3A_88, %dma_wait3A_89] : memref<256x128xf32, #tpu.memory_space<vmem>> -> memref<128x128xf32, #tpu.memory_space<vmem>>
    %dma_wait3A_91 = arith.constant 0 : i32
    %dma_wait3A_92 = tpu.memref_slice %arg7[%dma_wait3A_87, %dma_wait3A_91] : memref<2x128xi32, #tpu.memory_space<vmem>> -> memref<1x128xi32, #tpu.memory_space<vmem>>
    %dma_wait3A_93 = tpu.memref_squeeze %dma_wait3A_92 : memref<1x128xi32, #tpu.memory_space<vmem>> -> memref<128xi32, #tpu.memory_space<vmem>>
    %dma_wait3A_94 = arith.constant 0 : i32
    %dma_wait3A_95 = arith.constant 0 : i32
    %dma_wait3A_96 = tpu.memref_slice %arg2[%dma_wait3A_94, %dma_wait3A_95] : memref<16384x128xf32, #tpu.memory_space<hbm>> -> memref<16384x128xf32, #tpu.memory_space<hbm>>
    tpu.wait_indirect_dma semaphore(%arg13 : memref<!tpu.dma_semaphore, #tpu.memory_space<semaphore_mem>>) src(%dma_wait3A_96 : memref<16384x128xf32, #tpu.memory_space<hbm>>) dst(%dma_wait3A_90 : memref<128x128xf32, #tpu.memory_space<vmem>>)
    %dma_wait3A_97 = arith.constant 1 : i32
    %dma_wait3A_98 = arith.constant 128 : i32
    %dma_wait3A_99 = arith.constant 0 : i32
    %dma_wait3A_100 = tpu.memref_slice %arg8[%dma_wait3A_98, %dma_wait3A_99] : memref<256x128xf32, #tpu.memory_space<vmem>> -> memref<128x128xf32, #tpu.memory_space<vmem>>
    %dma_wait3A_101 = arith.constant 0 : i32
    %dma_wait3A_102 = tpu.memref_slice %arg7[%dma_wait3A_97, %dma_wait3A_101] : memref<2x128xi32, #tpu.memory_space<vmem>> -> memref<1x128xi32, #tpu.memory_space<vmem>>
    %dma_wait3A_103 = tpu.memref_squeeze %dma_wait3A_102 : memref<1x128xi32, #tpu.memory_space<vmem>> -> memref<128xi32, #tpu.memory_space<vmem>>
    %dma_wait3A_104 = arith.constant 0 : i32
    %dma_wait3A_105 = arith.constant 0 : i32
    %dma_wait3A_106 = tpu.memref_slice %arg2[%dma_wait3A_104, %dma_wait3A_105] : memref<16384x128xf32, #tpu.memory_space<hbm>> -> memref<16384x128xf32, #tpu.memory_space<hbm>>
    tpu.wait_indirect_dma semaphore(%arg13 : memref<!tpu.dma_semaphore, #tpu.memory_space<semaphore_mem>>) src(%dma_wait3A_106 : memref<16384x128xf32, #tpu.memory_space<hbm>>) dst(%dma_wait3A_100 : memref<128x128xf32, #tpu.memory_space<vmem>>)
    %scan3A_107 = arith.constant 0 : i32
    %scan3A_108 = arith.constant 256 : i32
    %scan3A_109 = arith.addi %scan3A_107, %scan3A_108 : i32
    %scan3A_110 = arith.constant 1 : i32
    %scan3A_111 = scf.for %scan3A_118 = %scan3A_107 to %scan3A_109 step %scan3A_110 iter_args(%scan3A_119 = %scan3A_57) -> (vector<16xf32>)  : i32 {
      %get3A = arith.index_cast %scan3A_118 : i32 to index
      %get3A_120 = arith.constant 0 : index
      %get3A_121 = tpu.vector_load %arg9[%get3A, %get3A_120] {strides = array<i32>} : memref<256x128xf32, #tpu.memory_space<vmem>>, vector<1x16xf32>,
      %get3A_122 = vector.shape_cast %get3A_121 : vector<1x16xf32> to vector<16xf32>
      %get3A_123 = arith.index_cast %scan3A_118 : i32 to index
      %get3A_124 = arith.constant 0 : index
      %get3A_125 = tpu.vector_load %arg8[%get3A_123, %get3A_124] {strides = array<i32>} : memref<256x128xf32, #tpu.memory_space<vmem>>, vector<1x16xf32>,
      %get3A_126 = vector.shape_cast %get3A_125 : vector<1x16xf32> to vector<16xf32>
      %sub3A = arith.subf %get3A_122, %get3A_126 : vector<16xf32>
      %mul3A_127 = arith.mulf %sub3A, %sub3A : vector<16xf32>
      %add3A_128 = arith.addf %scan3A_119, %mul3A_127 : vector<16xf32>
      scf.yield %add3A_128 : vector<16xf32>
    }
    %scan3A_112 = arith.constant 256 : i32
    %swap3A = arith.constant 0 : index
    %swap3A_113 = tpu.vector_load %arg10[%swap3A] {strides = array<i32>} : memref<16xf32, #tpu.memory_space<vmem>>, vector<16xf32>,
    %swap3A_114 = vector.shape_cast %swap3A_113 : vector<16xf32> to vector<16xf32>
    %swap3A_115 = vector.shape_cast %scan3A_111 : vector<16xf32> to vector<16xf32>
    tpu.vector_store %arg10[%swap3A], %swap3A_115 {strides = array<i32>} : memref<16xf32, #tpu.memory_space<vmem>>, vector<16xf32>,
    "tpu.region"() ({
      %run_scoped3A = tpu.sem_alloc : memref<!tpu.dma_semaphore, #tpu.memory_space<semaphore_mem>>
      %dma_start3A_118 = arith.constant 0 : i32
      %dma_start3A_119 = tpu.memref_slice %arg11[%arg1, %dma_start3A_118] : memref<16x16xf32, #tpu.memory_space<vmem_shared>> -> memref<1x16xf32, #tpu.memory_space<vmem_shared>>
      %dma_start3A_120 = tpu.memref_squeeze %dma_start3A_119 : memref<1x16xf32, #tpu.memory_space<vmem_shared>> -> memref<16xf32, #tpu.memory_space<vmem_shared>>
      %dma_start3A_121 = arith.constant 0 : i32
      %dma_start3A_122 = tpu.memref_slice %arg11[%arg1, %dma_start3A_121] : memref<16x16xf32, #tpu.memory_space<vmem_shared>> -> memref<1x16xf32, #tpu.memory_space<vmem_shared>>
      %dma_start3A_123 = tpu.memref_squeeze %dma_start3A_122 : memref<1x16xf32, #tpu.memory_space<vmem_shared>> -> memref<16xf32, #tpu.memory_space<vmem_shared>>
      tpu.enqueue_dma source(%arg10 : memref<16xf32, #tpu.memory_space<vmem>>) target(%dma_start3A_123 : memref<16xf32, #tpu.memory_space<vmem_shared>>) target_semaphore(%run_scoped3A : memref<!tpu.dma_semaphore, #tpu.memory_space<semaphore_mem>>)
      %dma_wait3A_124 = arith.constant 0 : i32
      %dma_wait3A_125 = tpu.memref_slice %arg11[%arg1, %dma_wait3A_124] : memref<16x16xf32, #tpu.memory_space<vmem_shared>> -> memref<1x16xf32, #tpu.memory_space<vmem_shared>>
      %dma_wait3A_126 = tpu.memref_squeeze %dma_wait3A_125 : memref<1x16xf32, #tpu.memory_space<vmem_shared>> -> memref<16xf32, #tpu.memory_space<vmem_shared>>
      %dma_wait3A_127 = arith.constant 0 : i32
      %dma_wait3A_128 = tpu.memref_slice %arg11[%arg1, %dma_wait3A_127] : memref<16x16xf32, #tpu.memory_space<vmem_shared>> -> memref<1x16xf32, #tpu.memory_space<vmem_shared>>
      %dma_wait3A_129 = tpu.memref_squeeze %dma_wait3A_128 : memref<1x16xf32, #tpu.memory_space<vmem_shared>> -> memref<16xf32, #tpu.memory_space<vmem_shared>>
      tpu.wait_dma2 semaphore(%run_scoped3A : memref<!tpu.dma_semaphore, #tpu.memory_space<semaphore_mem>>) src(%arg10 : memref<16xf32, #tpu.memory_space<vmem>>) dst(%dma_wait3A_129 : memref<16xf32, #tpu.memory_space<vmem_shared>>)
      tpu.yield
    }) : () -> ()
    %barrier3A = arith.constant 0 : index
    tpu.barrier barrier_id(%barrier3A)
    %eq3A = arith.constant 0 : i32
    %eq3A_116 = arith.cmpi eq, %arg1, %eq3A : i32
    %convert_element_type3A = arith.extui %eq3A_116 : i1 to i32
    %cond3A = arith.constant 0 : i32
    %cond3A_117 = arith.cmpi ne, %convert_element_type3A, %cond3A : i32
    scf.if %cond3A_117 {
      %broadcast_in_dim3A_118 = arith.constant 0.000000e+00 : f32
      %broadcast_in_dim3A_119 = vector.broadcast %broadcast_in_dim3A_118 : f32 to vector<16xf32>
      %run_scoped3A = arith.constant 0 : i32
      "tpu.region"() ({
        %run_scoped3A_205 = tpu.sem_alloc : memref<!tpu.dma_semaphore, #tpu.memory_space<semaphore_mem>>
        %dma_start3A_206 = arith.constant 0 : i32
        %dma_start3A_207 = tpu.memref_slice %arg11[%run_scoped3A, %dma_start3A_206] : memref<16x16xf32, #tpu.memory_space<vmem_shared>> -> memref<1x16xf32, #tpu.memory_space<vmem_shared>>
        %dma_start3A_208 = tpu.memref_squeeze %dma_start3A_207 : memref<1x16xf32, #tpu.memory_space<vmem_shared>> -> memref<16xf32, #tpu.memory_space<vmem_shared>>
        %dma_start3A_209 = arith.constant 0 : i32
        %dma_start3A_210 = tpu.memref_slice %arg11[%run_scoped3A, %dma_start3A_209] : memref<16x16xf32, #tpu.memory_space<vmem_shared>> -> memref<1x16xf32, #tpu.memory_space<vmem_shared>>
        %dma_start3A_211 = tpu.memref_squeeze %dma_start3A_210 : memref<1x16xf32, #tpu.memory_space<vmem_shared>> -> memref<16xf32, #tpu.memory_space<vmem_shared>>
        tpu.enqueue_dma source(%dma_start3A_211 : memref<16xf32, #tpu.memory_space<vmem_shared>>) target(%arg10 : memref<16xf32, #tpu.memory_space<vmem>>) target_semaphore(%run_scoped3A_205 : memref<!tpu.dma_semaphore, #tpu.memory_space<semaphore_mem>>)
        %dma_wait3A_212 = arith.constant 0 : i32
        %dma_wait3A_213 = tpu.memref_slice %arg11[%run_scoped3A, %dma_wait3A_212] : memref<16x16xf32, #tpu.memory_space<vmem_shared>> -> memref<1x16xf32, #tpu.memory_space<vmem_shared>>
        %dma_wait3A_214 = tpu.memref_squeeze %dma_wait3A_213 : memref<1x16xf32, #tpu.memory_space<vmem_shared>> -> memref<16xf32, #tpu.memory_space<vmem_shared>>
        %dma_wait3A_215 = arith.constant 0 : i32
        %dma_wait3A_216 = tpu.memref_slice %arg11[%run_scoped3A, %dma_wait3A_215] : memref<16x16xf32, #tpu.memory_space<vmem_shared>> -> memref<1x16xf32, #tpu.memory_space<vmem_shared>>
        %dma_wait3A_217 = tpu.memref_squeeze %dma_wait3A_216 : memref<1x16xf32, #tpu.memory_space<vmem_shared>> -> memref<16xf32, #tpu.memory_space<vmem_shared>>
        tpu.wait_dma2 semaphore(%run_scoped3A_205 : memref<!tpu.dma_semaphore, #tpu.memory_space<semaphore_mem>>) src(%dma_wait3A_217 : memref<16xf32, #tpu.memory_space<vmem_shared>>) dst(%arg10 : memref<16xf32, #tpu.memory_space<vmem>>)
        tpu.yield
      }) : () -> ()
      %get3A = arith.constant 0 : index
      %get3A_120 = tpu.vector_load %arg10[%get3A] {strides = array<i32>} : memref<16xf32, #tpu.memory_space<vmem>>, vector<16xf32>,
      %get3A_121 = vector.shape_cast %get3A_120 : vector<16xf32> to vector<16xf32>
      %add3A_122 = arith.addf %broadcast_in_dim3A_119, %get3A_121 : vector<16xf32>
      %run_scoped3A_123 = arith.constant 1 : i32
      "tpu.region"() ({
        %run_scoped3A_205 = tpu.sem_alloc : memref<!tpu.dma_semaphore, #tpu.memory_space<semaphore_mem>>
        %dma_start3A_206 = arith.constant 0 : i32
        %dma_start3A_207 = tpu.memref_slice %arg11[%run_scoped3A_123, %dma_start3A_206] : memref<16x16xf32, #tpu.memory_space<vmem_shared>> -> memref<1x16xf32, #tpu.memory_space<vmem_shared>>
        %dma_start3A_208 = tpu.memref_squeeze %dma_start3A_207 : memref<1x16xf32, #tpu.memory_space<vmem_shared>> -> memref<16xf32, #tpu.memory_space<vmem_shared>>
        %dma_start3A_209 = arith.constant 0 : i32
        %dma_start3A_210 = tpu.memref_slice %arg11[%run_scoped3A_123, %dma_start3A_209] : memref<16x16xf32, #tpu.memory_space<vmem_shared>> -> memref<1x16xf32, #tpu.memory_space<vmem_shared>>
        %dma_start3A_211 = tpu.memref_squeeze %dma_start3A_210 : memref<1x16xf32, #tpu.memory_space<vmem_shared>> -> memref<16xf32, #tpu.memory_space<vmem_shared>>
        tpu.enqueue_dma source(%dma_start3A_211 : memref<16xf32, #tpu.memory_space<vmem_shared>>) target(%arg10 : memref<16xf32, #tpu.memory_space<vmem>>) target_semaphore(%run_scoped3A_205 : memref<!tpu.dma_semaphore, #tpu.memory_space<semaphore_mem>>)
        %dma_wait3A_212 = arith.constant 0 : i32
        %dma_wait3A_213 = tpu.memref_slice %arg11[%run_scoped3A_123, %dma_wait3A_212] : memref<16x16xf32, #tpu.memory_space<vmem_shared>> -> memref<1x16xf32, #tpu.memory_space<vmem_shared>>
        %dma_wait3A_214 = tpu.memref_squeeze %dma_wait3A_213 : memref<1x16xf32, #tpu.memory_space<vmem_shared>> -> memref<16xf32, #tpu.memory_space<vmem_shared>>
        %dma_wait3A_215 = arith.constant 0 : i32
        %dma_wait3A_216 = tpu.memref_slice %arg11[%run_scoped3A_123, %dma_wait3A_215] : memref<16x16xf32, #tpu.memory_space<vmem_shared>> -> memref<1x16xf32, #tpu.memory_space<vmem_shared>>
        %dma_wait3A_217 = tpu.memref_squeeze %dma_wait3A_216 : memref<1x16xf32, #tpu.memory_space<vmem_shared>> -> memref<16xf32, #tpu.memory_space<vmem_shared>>
        tpu.wait_dma2 semaphore(%run_scoped3A_205 : memref<!tpu.dma_semaphore, #tpu.memory_space<semaphore_mem>>) src(%dma_wait3A_217 : memref<16xf32, #tpu.memory_space<vmem_shared>>) dst(%arg10 : memref<16xf32, #tpu.memory_space<vmem>>)
        tpu.yield
      }) : () -> ()
      %get3A_124 = arith.constant 0 : index
      %get3A_125 = tpu.vector_load %arg10[%get3A_124] {strides = array<i32>} : memref<16xf32, #tpu.memory_space<vmem>>, vector<16xf32>,
      %get3A_126 = vector.shape_cast %get3A_125 : vector<16xf32> to vector<16xf32>
      %add3A_127 = arith.addf %add3A_122, %get3A_126 : vector<16xf32>
      %run_scoped3A_128 = arith.constant 2 : i32
      "tpu.region"() ({
        %run_scoped3A_205 = tpu.sem_alloc : memref<!tpu.dma_semaphore, #tpu.memory_space<semaphore_mem>>
        %dma_start3A_206 = arith.constant 0 : i32
        %dma_start3A_207 = tpu.memref_slice %arg11[%run_scoped3A_128, %dma_start3A_206] : memref<16x16xf32, #tpu.memory_space<vmem_shared>> -> memref<1x16xf32, #tpu.memory_space<vmem_shared>>
        %dma_start3A_208 = tpu.memref_squeeze %dma_start3A_207 : memref<1x16xf32, #tpu.memory_space<vmem_shared>> -> memref<16xf32, #tpu.memory_space<vmem_shared>>
        %dma_start3A_209 = arith.constant 0 : i32
        %dma_start3A_210 = tpu.memref_slice %arg11[%run_scoped3A_128, %dma_start3A_209] : memref<16x16xf32, #tpu.memory_space<vmem_shared>> -> memref<1x16xf32, #tpu.memory_space<vmem_shared>>
        %dma_start3A_211 = tpu.memref_squeeze %dma_start3A_210 : memref<1x16xf32, #tpu.memory_space<vmem_shared>> -> memref<16xf32, #tpu.memory_space<vmem_shared>>
        tpu.enqueue_dma source(%dma_start3A_211 : memref<16xf32, #tpu.memory_space<vmem_shared>>) target(%arg10 : memref<16xf32, #tpu.memory_space<vmem>>) target_semaphore(%run_scoped3A_205 : memref<!tpu.dma_semaphore, #tpu.memory_space<semaphore_mem>>)
        %dma_wait3A_212 = arith.constant 0 : i32
        %dma_wait3A_213 = tpu.memref_slice %arg11[%run_scoped3A_128, %dma_wait3A_212] : memref<16x16xf32, #tpu.memory_space<vmem_shared>> -> memref<1x16xf32, #tpu.memory_space<vmem_shared>>
        %dma_wait3A_214 = tpu.memref_squeeze %dma_wait3A_213 : memref<1x16xf32, #tpu.memory_space<vmem_shared>> -> memref<16xf32, #tpu.memory_space<vmem_shared>>
        %dma_wait3A_215 = arith.constant 0 : i32
        %dma_wait3A_216 = tpu.memref_slice %arg11[%run_scoped3A_128, %dma_wait3A_215] : memref<16x16xf32, #tpu.memory_space<vmem_shared>> -> memref<1x16xf32, #tpu.memory_space<vmem_shared>>
        %dma_wait3A_217 = tpu.memref_squeeze %dma_wait3A_216 : memref<1x16xf32, #tpu.memory_space<vmem_shared>> -> memref<16xf32, #tpu.memory_space<vmem_shared>>
        tpu.wait_dma2 semaphore(%run_scoped3A_205 : memref<!tpu.dma_semaphore, #tpu.memory_space<semaphore_mem>>) src(%dma_wait3A_217 : memref<16xf32, #tpu.memory_space<vmem_shared>>) dst(%arg10 : memref<16xf32, #tpu.memory_space<vmem>>)
        tpu.yield
      }) : () -> ()
      %get3A_129 = arith.constant 0 : index
      %get3A_130 = tpu.vector_load %arg10[%get3A_129] {strides = array<i32>} : memref<16xf32, #tpu.memory_space<vmem>>, vector<16xf32>,
      %get3A_131 = vector.shape_cast %get3A_130 : vector<16xf32> to vector<16xf32>
      %add3A_132 = arith.addf %add3A_127, %get3A_131 : vector<16xf32>
      %run_scoped3A_133 = arith.constant 3 : i32
      "tpu.region"() ({
        %run_scoped3A_205 = tpu.sem_alloc : memref<!tpu.dma_semaphore, #tpu.memory_space<semaphore_mem>>
        %dma_start3A_206 = arith.constant 0 : i32
        %dma_start3A_207 = tpu.memref_slice %arg11[%run_scoped3A_133, %dma_start3A_206] : memref<16x16xf32, #tpu.memory_space<vmem_shared>> -> memref<1x16xf32, #tpu.memory_space<vmem_shared>>
        %dma_start3A_208 = tpu.memref_squeeze %dma_start3A_207 : memref<1x16xf32, #tpu.memory_space<vmem_shared>> -> memref<16xf32, #tpu.memory_space<vmem_shared>>
        %dma_start3A_209 = arith.constant 0 : i32
        %dma_start3A_210 = tpu.memref_slice %arg11[%run_scoped3A_133, %dma_start3A_209] : memref<16x16xf32, #tpu.memory_space<vmem_shared>> -> memref<1x16xf32, #tpu.memory_space<vmem_shared>>
        %dma_start3A_211 = tpu.memref_squeeze %dma_start3A_210 : memref<1x16xf32, #tpu.memory_space<vmem_shared>> -> memref<16xf32, #tpu.memory_space<vmem_shared>>
        tpu.enqueue_dma source(%dma_start3A_211 : memref<16xf32, #tpu.memory_space<vmem_shared>>) target(%arg10 : memref<16xf32, #tpu.memory_space<vmem>>) target_semaphore(%run_scoped3A_205 : memref<!tpu.dma_semaphore, #tpu.memory_space<semaphore_mem>>)
        %dma_wait3A_212 = arith.constant 0 : i32
        %dma_wait3A_213 = tpu.memref_slice %arg11[%run_scoped3A_133, %dma_wait3A_212] : memref<16x16xf32, #tpu.memory_space<vmem_shared>> -> memref<1x16xf32, #tpu.memory_space<vmem_shared>>
        %dma_wait3A_214 = tpu.memref_squeeze %dma_wait3A_213 : memref<1x16xf32, #tpu.memory_space<vmem_shared>> -> memref<16xf32, #tpu.memory_space<vmem_shared>>
        %dma_wait3A_215 = arith.constant 0 : i32
        %dma_wait3A_216 = tpu.memref_slice %arg11[%run_scoped3A_133, %dma_wait3A_215] : memref<16x16xf32, #tpu.memory_space<vmem_shared>> -> memref<1x16xf32, #tpu.memory_space<vmem_shared>>
        %dma_wait3A_217 = tpu.memref_squeeze %dma_wait3A_216 : memref<1x16xf32, #tpu.memory_space<vmem_shared>> -> memref<16xf32, #tpu.memory_space<vmem_shared>>
        tpu.wait_dma2 semaphore(%run_scoped3A_205 : memref<!tpu.dma_semaphore, #tpu.memory_space<semaphore_mem>>) src(%dma_wait3A_217 : memref<16xf32, #tpu.memory_space<vmem_shared>>) dst(%arg10 : memref<16xf32, #tpu.memory_space<vmem>>)
        tpu.yield
      }) : () -> ()
      %get3A_134 = arith.constant 0 : index
      %get3A_135 = tpu.vector_load %arg10[%get3A_134] {strides = array<i32>} : memref<16xf32, #tpu.memory_space<vmem>>, vector<16xf32>,
      %get3A_136 = vector.shape_cast %get3A_135 : vector<16xf32> to vector<16xf32>
      %add3A_137 = arith.addf %add3A_132, %get3A_136 : vector<16xf32>
      %run_scoped3A_138 = arith.constant 4 : i32
      "tpu.region"() ({
        %run_scoped3A_205 = tpu.sem_alloc : memref<!tpu.dma_semaphore, #tpu.memory_space<semaphore_mem>>
        %dma_start3A_206 = arith.constant 0 : i32
        %dma_start3A_207 = tpu.memref_slice %arg11[%run_scoped3A_138, %dma_start3A_206] : memref<16x16xf32, #tpu.memory_space<vmem_shared>> -> memref<1x16xf32, #tpu.memory_space<vmem_shared>>
        %dma_start3A_208 = tpu.memref_squeeze %dma_start3A_207 : memref<1x16xf32, #tpu.memory_space<vmem_shared>> -> memref<16xf32, #tpu.memory_space<vmem_shared>>
        %dma_start3A_209 = arith.constant 0 : i32
        %dma_start3A_210 = tpu.memref_slice %arg11[%run_scoped3A_138, %dma_start3A_209] : memref<16x16xf32, #tpu.memory_space<vmem_shared>> -> memref<1x16xf32, #tpu.memory_space<vmem_shared>>
        %dma_start3A_211 = tpu.memref_squeeze %dma_start3A_210 : memref<1x16xf32, #tpu.memory_space<vmem_shared>> -> memref<16xf32, #tpu.memory_space<vmem_shared>>
        tpu.enqueue_dma source(%dma_start3A_211 : memref<16xf32, #tpu.memory_space<vmem_shared>>) target(%arg10 : memref<16xf32, #tpu.memory_space<vmem>>) target_semaphore(%run_scoped3A_205 : memref<!tpu.dma_semaphore, #tpu.memory_space<semaphore_mem>>)
        %dma_wait3A_212 = arith.constant 0 : i32
        %dma_wait3A_213 = tpu.memref_slice %arg11[%run_scoped3A_138, %dma_wait3A_212] : memref<16x16xf32, #tpu.memory_space<vmem_shared>> -> memref<1x16xf32, #tpu.memory_space<vmem_shared>>
        %dma_wait3A_214 = tpu.memref_squeeze %dma_wait3A_213 : memref<1x16xf32, #tpu.memory_space<vmem_shared>> -> memref<16xf32, #tpu.memory_space<vmem_shared>>
        %dma_wait3A_215 = arith.constant 0 : i32
        %dma_wait3A_216 = tpu.memref_slice %arg11[%run_scoped3A_138, %dma_wait3A_215] : memref<16x16xf32, #tpu.memory_space<vmem_shared>> -> memref<1x16xf32, #tpu.memory_space<vmem_shared>>
        %dma_wait3A_217 = tpu.memref_squeeze %dma_wait3A_216 : memref<1x16xf32, #tpu.memory_space<vmem_shared>> -> memref<16xf32, #tpu.memory_space<vmem_shared>>
        tpu.wait_dma2 semaphore(%run_scoped3A_205 : memref<!tpu.dma_semaphore, #tpu.memory_space<semaphore_mem>>) src(%dma_wait3A_217 : memref<16xf32, #tpu.memory_space<vmem_shared>>) dst(%arg10 : memref<16xf32, #tpu.memory_space<vmem>>)
        tpu.yield
      }) : () -> ()
      %get3A_139 = arith.constant 0 : index
      %get3A_140 = tpu.vector_load %arg10[%get3A_139] {strides = array<i32>} : memref<16xf32, #tpu.memory_space<vmem>>, vector<16xf32>,
      %get3A_141 = vector.shape_cast %get3A_140 : vector<16xf32> to vector<16xf32>
      %add3A_142 = arith.addf %add3A_137, %get3A_141 : vector<16xf32>
      %run_scoped3A_143 = arith.constant 5 : i32
      "tpu.region"() ({
        %run_scoped3A_205 = tpu.sem_alloc : memref<!tpu.dma_semaphore, #tpu.memory_space<semaphore_mem>>
        %dma_start3A_206 = arith.constant 0 : i32
        %dma_start3A_207 = tpu.memref_slice %arg11[%run_scoped3A_143, %dma_start3A_206] : memref<16x16xf32, #tpu.memory_space<vmem_shared>> -> memref<1x16xf32, #tpu.memory_space<vmem_shared>>
        %dma_start3A_208 = tpu.memref_squeeze %dma_start3A_207 : memref<1x16xf32, #tpu.memory_space<vmem_shared>> -> memref<16xf32, #tpu.memory_space<vmem_shared>>
        %dma_start3A_209 = arith.constant 0 : i32
        %dma_start3A_210 = tpu.memref_slice %arg11[%run_scoped3A_143, %dma_start3A_209] : memref<16x16xf32, #tpu.memory_space<vmem_shared>> -> memref<1x16xf32, #tpu.memory_space<vmem_shared>>
        %dma_start3A_211 = tpu.memref_squeeze %dma_start3A_210 : memref<1x16xf32, #tpu.memory_space<vmem_shared>> -> memref<16xf32, #tpu.memory_space<vmem_shared>>
        tpu.enqueue_dma source(%dma_start3A_211 : memref<16xf32, #tpu.memory_space<vmem_shared>>) target(%arg10 : memref<16xf32, #tpu.memory_space<vmem>>) target_semaphore(%run_scoped3A_205 : memref<!tpu.dma_semaphore, #tpu.memory_space<semaphore_mem>>)
        %dma_wait3A_212 = arith.constant 0 : i32
        %dma_wait3A_213 = tpu.memref_slice %arg11[%run_scoped3A_143, %dma_wait3A_212] : memref<16x16xf32, #tpu.memory_space<vmem_shared>> -> memref<1x16xf32, #tpu.memory_space<vmem_shared>>
        %dma_wait3A_214 = tpu.memref_squeeze %dma_wait3A_213 : memref<1x16xf32, #tpu.memory_space<vmem_shared>> -> memref<16xf32, #tpu.memory_space<vmem_shared>>
        %dma_wait3A_215 = arith.constant 0 : i32
        %dma_wait3A_216 = tpu.memref_slice %arg11[%run_scoped3A_143, %dma_wait3A_215] : memref<16x16xf32, #tpu.memory_space<vmem_shared>> -> memref<1x16xf32, #tpu.memory_space<vmem_shared>>
        %dma_wait3A_217 = tpu.memref_squeeze %dma_wait3A_216 : memref<1x16xf32, #tpu.memory_space<vmem_shared>> -> memref<16xf32, #tpu.memory_space<vmem_shared>>
        tpu.wait_dma2 semaphore(%run_scoped3A_205 : memref<!tpu.dma_semaphore, #tpu.memory_space<semaphore_mem>>) src(%dma_wait3A_217 : memref<16xf32, #tpu.memory_space<vmem_shared>>) dst(%arg10 : memref<16xf32, #tpu.memory_space<vmem>>)
        tpu.yield
      }) : () -> ()
      %get3A_144 = arith.constant 0 : index
      %get3A_145 = tpu.vector_load %arg10[%get3A_144] {strides = array<i32>} : memref<16xf32, #tpu.memory_space<vmem>>, vector<16xf32>,
      %get3A_146 = vector.shape_cast %get3A_145 : vector<16xf32> to vector<16xf32>
      %add3A_147 = arith.addf %add3A_142, %get3A_146 : vector<16xf32>
      %run_scoped3A_148 = arith.constant 6 : i32
      "tpu.region"() ({
        %run_scoped3A_205 = tpu.sem_alloc : memref<!tpu.dma_semaphore, #tpu.memory_space<semaphore_mem>>
        %dma_start3A_206 = arith.constant 0 : i32
        %dma_start3A_207 = tpu.memref_slice %arg11[%run_scoped3A_148, %dma_start3A_206] : memref<16x16xf32, #tpu.memory_space<vmem_shared>> -> memref<1x16xf32, #tpu.memory_space<vmem_shared>>
        %dma_start3A_208 = tpu.memref_squeeze %dma_start3A_207 : memref<1x16xf32, #tpu.memory_space<vmem_shared>> -> memref<16xf32, #tpu.memory_space<vmem_shared>>
        %dma_start3A_209 = arith.constant 0 : i32
        %dma_start3A_210 = tpu.memref_slice %arg11[%run_scoped3A_148, %dma_start3A_209] : memref<16x16xf32, #tpu.memory_space<vmem_shared>> -> memref<1x16xf32, #tpu.memory_space<vmem_shared>>
        %dma_start3A_211 = tpu.memref_squeeze %dma_start3A_210 : memref<1x16xf32, #tpu.memory_space<vmem_shared>> -> memref<16xf32, #tpu.memory_space<vmem_shared>>
        tpu.enqueue_dma source(%dma_start3A_211 : memref<16xf32, #tpu.memory_space<vmem_shared>>) target(%arg10 : memref<16xf32, #tpu.memory_space<vmem>>) target_semaphore(%run_scoped3A_205 : memref<!tpu.dma_semaphore, #tpu.memory_space<semaphore_mem>>)
        %dma_wait3A_212 = arith.constant 0 : i32
        %dma_wait3A_213 = tpu.memref_slice %arg11[%run_scoped3A_148, %dma_wait3A_212] : memref<16x16xf32, #tpu.memory_space<vmem_shared>> -> memref<1x16xf32, #tpu.memory_space<vmem_shared>>
        %dma_wait3A_214 = tpu.memref_squeeze %dma_wait3A_213 : memref<1x16xf32, #tpu.memory_space<vmem_shared>> -> memref<16xf32, #tpu.memory_space<vmem_shared>>
        %dma_wait3A_215 = arith.constant 0 : i32
        %dma_wait3A_216 = tpu.memref_slice %arg11[%run_scoped3A_148, %dma_wait3A_215] : memref<16x16xf32, #tpu.memory_space<vmem_shared>> -> memref<1x16xf32, #tpu.memory_space<vmem_shared>>
        %dma_wait3A_217 = tpu.memref_squeeze %dma_wait3A_216 : memref<1x16xf32, #tpu.memory_space<vmem_shared>> -> memref<16xf32, #tpu.memory_space<vmem_shared>>
        tpu.wait_dma2 semaphore(%run_scoped3A_205 : memref<!tpu.dma_semaphore, #tpu.memory_space<semaphore_mem>>) src(%dma_wait3A_217 : memref<16xf32, #tpu.memory_space<vmem_shared>>) dst(%arg10 : memref<16xf32, #tpu.memory_space<vmem>>)
        tpu.yield
      }) : () -> ()
      %get3A_149 = arith.constant 0 : index
      %get3A_150 = tpu.vector_load %arg10[%get3A_149] {strides = array<i32>} : memref<16xf32, #tpu.memory_space<vmem>>, vector<16xf32>,
      %get3A_151 = vector.shape_cast %get3A_150 : vector<16xf32> to vector<16xf32>
      %add3A_152 = arith.addf %add3A_147, %get3A_151 : vector<16xf32>
      %run_scoped3A_153 = arith.constant 7 : i32
      "tpu.region"() ({
        %run_scoped3A_205 = tpu.sem_alloc : memref<!tpu.dma_semaphore, #tpu.memory_space<semaphore_mem>>
        %dma_start3A_206 = arith.constant 0 : i32
        %dma_start3A_207 = tpu.memref_slice %arg11[%run_scoped3A_153, %dma_start3A_206] : memref<16x16xf32, #tpu.memory_space<vmem_shared>> -> memref<1x16xf32, #tpu.memory_space<vmem_shared>>
        %dma_start3A_208 = tpu.memref_squeeze %dma_start3A_207 : memref<1x16xf32, #tpu.memory_space<vmem_shared>> -> memref<16xf32, #tpu.memory_space<vmem_shared>>
        %dma_start3A_209 = arith.constant 0 : i32
        %dma_start3A_210 = tpu.memref_slice %arg11[%run_scoped3A_153, %dma_start3A_209] : memref<16x16xf32, #tpu.memory_space<vmem_shared>> -> memref<1x16xf32, #tpu.memory_space<vmem_shared>>
        %dma_start3A_211 = tpu.memref_squeeze %dma_start3A_210 : memref<1x16xf32, #tpu.memory_space<vmem_shared>> -> memref<16xf32, #tpu.memory_space<vmem_shared>>
        tpu.enqueue_dma source(%dma_start3A_211 : memref<16xf32, #tpu.memory_space<vmem_shared>>) target(%arg10 : memref<16xf32, #tpu.memory_space<vmem>>) target_semaphore(%run_scoped3A_205 : memref<!tpu.dma_semaphore, #tpu.memory_space<semaphore_mem>>)
        %dma_wait3A_212 = arith.constant 0 : i32
        %dma_wait3A_213 = tpu.memref_slice %arg11[%run_scoped3A_153, %dma_wait3A_212] : memref<16x16xf32, #tpu.memory_space<vmem_shared>> -> memref<1x16xf32, #tpu.memory_space<vmem_shared>>
        %dma_wait3A_214 = tpu.memref_squeeze %dma_wait3A_213 : memref<1x16xf32, #tpu.memory_space<vmem_shared>> -> memref<16xf32, #tpu.memory_space<vmem_shared>>
        %dma_wait3A_215 = arith.constant 0 : i32
        %dma_wait3A_216 = tpu.memref_slice %arg11[%run_scoped3A_153, %dma_wait3A_215] : memref<16x16xf32, #tpu.memory_space<vmem_shared>> -> memref<1x16xf32, #tpu.memory_space<vmem_shared>>
        %dma_wait3A_217 = tpu.memref_squeeze %dma_wait3A_216 : memref<1x16xf32, #tpu.memory_space<vmem_shared>> -> memref<16xf32, #tpu.memory_space<vmem_shared>>
        tpu.wait_dma2 semaphore(%run_scoped3A_205 : memref<!tpu.dma_semaphore, #tpu.memory_space<semaphore_mem>>) src(%dma_wait3A_217 : memref<16xf32, #tpu.memory_space<vmem_shared>>) dst(%arg10 : memref<16xf32, #tpu.memory_space<vmem>>)
        tpu.yield
      }) : () -> ()
      %get3A_154 = arith.constant 0 : index
      %get3A_155 = tpu.vector_load %arg10[%get3A_154] {strides = array<i32>} : memref<16xf32, #tpu.memory_space<vmem>>, vector<16xf32>,
      %get3A_156 = vector.shape_cast %get3A_155 : vector<16xf32> to vector<16xf32>
      %add3A_157 = arith.addf %add3A_152, %get3A_156 : vector<16xf32>
      %run_scoped3A_158 = arith.constant 8 : i32
      "tpu.region"() ({
        %run_scoped3A_205 = tpu.sem_alloc : memref<!tpu.dma_semaphore, #tpu.memory_space<semaphore_mem>>
        %dma_start3A_206 = arith.constant 0 : i32
        %dma_start3A_207 = tpu.memref_slice %arg11[%run_scoped3A_158, %dma_start3A_206] : memref<16x16xf32, #tpu.memory_space<vmem_shared>> -> memref<1x16xf32, #tpu.memory_space<vmem_shared>>
        %dma_start3A_208 = tpu.memref_squeeze %dma_start3A_207 : memref<1x16xf32, #tpu.memory_space<vmem_shared>> -> memref<16xf32, #tpu.memory_space<vmem_shared>>
        %dma_start3A_209 = arith.constant 0 : i32
        %dma_start3A_210 = tpu.memref_slice %arg11[%run_scoped3A_158, %dma_start3A_209] : memref<16x16xf32, #tpu.memory_space<vmem_shared>> -> memref<1x16xf32, #tpu.memory_space<vmem_shared>>
        %dma_start3A_211 = tpu.memref_squeeze %dma_start3A_210 : memref<1x16xf32, #tpu.memory_space<vmem_shared>> -> memref<16xf32, #tpu.memory_space<vmem_shared>>
        tpu.enqueue_dma source(%dma_start3A_211 : memref<16xf32, #tpu.memory_space<vmem_shared>>) target(%arg10 : memref<16xf32, #tpu.memory_space<vmem>>) target_semaphore(%run_scoped3A_205 : memref<!tpu.dma_semaphore, #tpu.memory_space<semaphore_mem>>)
        %dma_wait3A_212 = arith.constant 0 : i32
        %dma_wait3A_213 = tpu.memref_slice %arg11[%run_scoped3A_158, %dma_wait3A_212] : memref<16x16xf32, #tpu.memory_space<vmem_shared>> -> memref<1x16xf32, #tpu.memory_space<vmem_shared>>
        %dma_wait3A_214 = tpu.memref_squeeze %dma_wait3A_213 : memref<1x16xf32, #tpu.memory_space<vmem_shared>> -> memref<16xf32, #tpu.memory_space<vmem_shared>>
        %dma_wait3A_215 = arith.constant 0 : i32
        %dma_wait3A_216 = tpu.memref_slice %arg11[%run_scoped3A_158, %dma_wait3A_215] : memref<16x16xf32, #tpu.memory_space<vmem_shared>> -> memref<1x16xf32, #tpu.memory_space<vmem_shared>>
        %dma_wait3A_217 = tpu.memref_squeeze %dma_wait3A_216 : memref<1x16xf32, #tpu.memory_space<vmem_shared>> -> memref<16xf32, #tpu.memory_space<vmem_shared>>
        tpu.wait_dma2 semaphore(%run_scoped3A_205 : memref<!tpu.dma_semaphore, #tpu.memory_space<semaphore_mem>>) src(%dma_wait3A_217 : memref<16xf32, #tpu.memory_space<vmem_shared>>) dst(%arg10 : memref<16xf32, #tpu.memory_space<vmem>>)
        tpu.yield
      }) : () -> ()
      %get3A_159 = arith.constant 0 : index
      %get3A_160 = tpu.vector_load %arg10[%get3A_159] {strides = array<i32>} : memref<16xf32, #tpu.memory_space<vmem>>, vector<16xf32>,
      %get3A_161 = vector.shape_cast %get3A_160 : vector<16xf32> to vector<16xf32>
      %add3A_162 = arith.addf %add3A_157, %get3A_161 : vector<16xf32>
      %run_scoped3A_163 = arith.constant 9 : i32
      "tpu.region"() ({
        %run_scoped3A_205 = tpu.sem_alloc : memref<!tpu.dma_semaphore, #tpu.memory_space<semaphore_mem>>
        %dma_start3A_206 = arith.constant 0 : i32
        %dma_start3A_207 = tpu.memref_slice %arg11[%run_scoped3A_163, %dma_start3A_206] : memref<16x16xf32, #tpu.memory_space<vmem_shared>> -> memref<1x16xf32, #tpu.memory_space<vmem_shared>>
        %dma_start3A_208 = tpu.memref_squeeze %dma_start3A_207 : memref<1x16xf32, #tpu.memory_space<vmem_shared>> -> memref<16xf32, #tpu.memory_space<vmem_shared>>
        %dma_start3A_209 = arith.constant 0 : i32
        %dma_start3A_210 = tpu.memref_slice %arg11[%run_scoped3A_163, %dma_start3A_209] : memref<16x16xf32, #tpu.memory_space<vmem_shared>> -> memref<1x16xf32, #tpu.memory_space<vmem_shared>>
        %dma_start3A_211 = tpu.memref_squeeze %dma_start3A_210 : memref<1x16xf32, #tpu.memory_space<vmem_shared>> -> memref<16xf32, #tpu.memory_space<vmem_shared>>
        tpu.enqueue_dma source(%dma_start3A_211 : memref<16xf32, #tpu.memory_space<vmem_shared>>) target(%arg10 : memref<16xf32, #tpu.memory_space<vmem>>) target_semaphore(%run_scoped3A_205 : memref<!tpu.dma_semaphore, #tpu.memory_space<semaphore_mem>>)
        %dma_wait3A_212 = arith.constant 0 : i32
        %dma_wait3A_213 = tpu.memref_slice %arg11[%run_scoped3A_163, %dma_wait3A_212] : memref<16x16xf32, #tpu.memory_space<vmem_shared>> -> memref<1x16xf32, #tpu.memory_space<vmem_shared>>
        %dma_wait3A_214 = tpu.memref_squeeze %dma_wait3A_213 : memref<1x16xf32, #tpu.memory_space<vmem_shared>> -> memref<16xf32, #tpu.memory_space<vmem_shared>>
        %dma_wait3A_215 = arith.constant 0 : i32
        %dma_wait3A_216 = tpu.memref_slice %arg11[%run_scoped3A_163, %dma_wait3A_215] : memref<16x16xf32, #tpu.memory_space<vmem_shared>> -> memref<1x16xf32, #tpu.memory_space<vmem_shared>>
        %dma_wait3A_217 = tpu.memref_squeeze %dma_wait3A_216 : memref<1x16xf32, #tpu.memory_space<vmem_shared>> -> memref<16xf32, #tpu.memory_space<vmem_shared>>
        tpu.wait_dma2 semaphore(%run_scoped3A_205 : memref<!tpu.dma_semaphore, #tpu.memory_space<semaphore_mem>>) src(%dma_wait3A_217 : memref<16xf32, #tpu.memory_space<vmem_shared>>) dst(%arg10 : memref<16xf32, #tpu.memory_space<vmem>>)
        tpu.yield
      }) : () -> ()
      %get3A_164 = arith.constant 0 : index
      %get3A_165 = tpu.vector_load %arg10[%get3A_164] {strides = array<i32>} : memref<16xf32, #tpu.memory_space<vmem>>, vector<16xf32>,
      %get3A_166 = vector.shape_cast %get3A_165 : vector<16xf32> to vector<16xf32>
      %add3A_167 = arith.addf %add3A_162, %get3A_166 : vector<16xf32>
      %run_scoped3A_168 = arith.constant 10 : i32
      "tpu.region"() ({
        %run_scoped3A_205 = tpu.sem_alloc : memref<!tpu.dma_semaphore, #tpu.memory_space<semaphore_mem>>
        %dma_start3A_206 = arith.constant 0 : i32
        %dma_start3A_207 = tpu.memref_slice %arg11[%run_scoped3A_168, %dma_start3A_206] : memref<16x16xf32, #tpu.memory_space<vmem_shared>> -> memref<1x16xf32, #tpu.memory_space<vmem_shared>>
        %dma_start3A_208 = tpu.memref_squeeze %dma_start3A_207 : memref<1x16xf32, #tpu.memory_space<vmem_shared>> -> memref<16xf32, #tpu.memory_space<vmem_shared>>
        %dma_start3A_209 = arith.constant 0 : i32
        %dma_start3A_210 = tpu.memref_slice %arg11[%run_scoped3A_168, %dma_start3A_209] : memref<16x16xf32, #tpu.memory_space<vmem_shared>> -> memref<1x16xf32, #tpu.memory_space<vmem_shared>>
        %dma_start3A_211 = tpu.memref_squeeze %dma_start3A_210 : memref<1x16xf32, #tpu.memory_space<vmem_shared>> -> memref<16xf32, #tpu.memory_space<vmem_shared>>
        tpu.enqueue_dma source(%dma_start3A_211 : memref<16xf32, #tpu.memory_space<vmem_shared>>) target(%arg10 : memref<16xf32, #tpu.memory_space<vmem>>) target_semaphore(%run_scoped3A_205 : memref<!tpu.dma_semaphore, #tpu.memory_space<semaphore_mem>>)
        %dma_wait3A_212 = arith.constant 0 : i32
        %dma_wait3A_213 = tpu.memref_slice %arg11[%run_scoped3A_168, %dma_wait3A_212] : memref<16x16xf32, #tpu.memory_space<vmem_shared>> -> memref<1x16xf32, #tpu.memory_space<vmem_shared>>
        %dma_wait3A_214 = tpu.memref_squeeze %dma_wait3A_213 : memref<1x16xf32, #tpu.memory_space<vmem_shared>> -> memref<16xf32, #tpu.memory_space<vmem_shared>>
        %dma_wait3A_215 = arith.constant 0 : i32
        %dma_wait3A_216 = tpu.memref_slice %arg11[%run_scoped3A_168, %dma_wait3A_215] : memref<16x16xf32, #tpu.memory_space<vmem_shared>> -> memref<1x16xf32, #tpu.memory_space<vmem_shared>>
        %dma_wait3A_217 = tpu.memref_squeeze %dma_wait3A_216 : memref<1x16xf32, #tpu.memory_space<vmem_shared>> -> memref<16xf32, #tpu.memory_space<vmem_shared>>
        tpu.wait_dma2 semaphore(%run_scoped3A_205 : memref<!tpu.dma_semaphore, #tpu.memory_space<semaphore_mem>>) src(%dma_wait3A_217 : memref<16xf32, #tpu.memory_space<vmem_shared>>) dst(%arg10 : memref<16xf32, #tpu.memory_space<vmem>>)
        tpu.yield
      }) : () -> ()
      %get3A_169 = arith.constant 0 : index
      %get3A_170 = tpu.vector_load %arg10[%get3A_169] {strides = array<i32>} : memref<16xf32, #tpu.memory_space<vmem>>, vector<16xf32>,
      %get3A_171 = vector.shape_cast %get3A_170 : vector<16xf32> to vector<16xf32>
      %add3A_172 = arith.addf %add3A_167, %get3A_171 : vector<16xf32>
      %run_scoped3A_173 = arith.constant 11 : i32
      "tpu.region"() ({
        %run_scoped3A_205 = tpu.sem_alloc : memref<!tpu.dma_semaphore, #tpu.memory_space<semaphore_mem>>
        %dma_start3A_206 = arith.constant 0 : i32
        %dma_start3A_207 = tpu.memref_slice %arg11[%run_scoped3A_173, %dma_start3A_206] : memref<16x16xf32, #tpu.memory_space<vmem_shared>> -> memref<1x16xf32, #tpu.memory_space<vmem_shared>>
        %dma_start3A_208 = tpu.memref_squeeze %dma_start3A_207 : memref<1x16xf32, #tpu.memory_space<vmem_shared>> -> memref<16xf32, #tpu.memory_space<vmem_shared>>
        %dma_start3A_209 = arith.constant 0 : i32
        %dma_start3A_210 = tpu.memref_slice %arg11[%run_scoped3A_173, %dma_start3A_209] : memref<16x16xf32, #tpu.memory_space<vmem_shared>> -> memref<1x16xf32, #tpu.memory_space<vmem_shared>>
        %dma_start3A_211 = tpu.memref_squeeze %dma_start3A_210 : memref<1x16xf32, #tpu.memory_space<vmem_shared>> -> memref<16xf32, #tpu.memory_space<vmem_shared>>
        tpu.enqueue_dma source(%dma_start3A_211 : memref<16xf32, #tpu.memory_space<vmem_shared>>) target(%arg10 : memref<16xf32, #tpu.memory_space<vmem>>) target_semaphore(%run_scoped3A_205 : memref<!tpu.dma_semaphore, #tpu.memory_space<semaphore_mem>>)
        %dma_wait3A_212 = arith.constant 0 : i32
        %dma_wait3A_213 = tpu.memref_slice %arg11[%run_scoped3A_173, %dma_wait3A_212] : memref<16x16xf32, #tpu.memory_space<vmem_shared>> -> memref<1x16xf32, #tpu.memory_space<vmem_shared>>
        %dma_wait3A_214 = tpu.memref_squeeze %dma_wait3A_213 : memref<1x16xf32, #tpu.memory_space<vmem_shared>> -> memref<16xf32, #tpu.memory_space<vmem_shared>>
        %dma_wait3A_215 = arith.constant 0 : i32
        %dma_wait3A_216 = tpu.memref_slice %arg11[%run_scoped3A_173, %dma_wait3A_215] : memref<16x16xf32, #tpu.memory_space<vmem_shared>> -> memref<1x16xf32, #tpu.memory_space<vmem_shared>>
        %dma_wait3A_217 = tpu.memref_squeeze %dma_wait3A_216 : memref<1x16xf32, #tpu.memory_space<vmem_shared>> -> memref<16xf32, #tpu.memory_space<vmem_shared>>
        tpu.wait_dma2 semaphore(%run_scoped3A_205 : memref<!tpu.dma_semaphore, #tpu.memory_space<semaphore_mem>>) src(%dma_wait3A_217 : memref<16xf32, #tpu.memory_space<vmem_shared>>) dst(%arg10 : memref<16xf32, #tpu.memory_space<vmem>>)
        tpu.yield
      }) : () -> ()
      %get3A_174 = arith.constant 0 : index
      %get3A_175 = tpu.vector_load %arg10[%get3A_174] {strides = array<i32>} : memref<16xf32, #tpu.memory_space<vmem>>, vector<16xf32>,
      %get3A_176 = vector.shape_cast %get3A_175 : vector<16xf32> to vector<16xf32>
      %add3A_177 = arith.addf %add3A_172, %get3A_176 : vector<16xf32>
      %run_scoped3A_178 = arith.constant 12 : i32
      "tpu.region"() ({
        %run_scoped3A_205 = tpu.sem_alloc : memref<!tpu.dma_semaphore, #tpu.memory_space<semaphore_mem>>
        %dma_start3A_206 = arith.constant 0 : i32
        %dma_start3A_207 = tpu.memref_slice %arg11[%run_scoped3A_178, %dma_start3A_206] : memref<16x16xf32, #tpu.memory_space<vmem_shared>> -> memref<1x16xf32, #tpu.memory_space<vmem_shared>>
        %dma_start3A_208 = tpu.memref_squeeze %dma_start3A_207 : memref<1x16xf32, #tpu.memory_space<vmem_shared>> -> memref<16xf32, #tpu.memory_space<vmem_shared>>
        %dma_start3A_209 = arith.constant 0 : i32
        %dma_start3A_210 = tpu.memref_slice %arg11[%run_scoped3A_178, %dma_start3A_209] : memref<16x16xf32, #tpu.memory_space<vmem_shared>> -> memref<1x16xf32, #tpu.memory_space<vmem_shared>>
        %dma_start3A_211 = tpu.memref_squeeze %dma_start3A_210 : memref<1x16xf32, #tpu.memory_space<vmem_shared>> -> memref<16xf32, #tpu.memory_space<vmem_shared>>
        tpu.enqueue_dma source(%dma_start3A_211 : memref<16xf32, #tpu.memory_space<vmem_shared>>) target(%arg10 : memref<16xf32, #tpu.memory_space<vmem>>) target_semaphore(%run_scoped3A_205 : memref<!tpu.dma_semaphore, #tpu.memory_space<semaphore_mem>>)
        %dma_wait3A_212 = arith.constant 0 : i32
        %dma_wait3A_213 = tpu.memref_slice %arg11[%run_scoped3A_178, %dma_wait3A_212] : memref<16x16xf32, #tpu.memory_space<vmem_shared>> -> memref<1x16xf32, #tpu.memory_space<vmem_shared>>
        %dma_wait3A_214 = tpu.memref_squeeze %dma_wait3A_213 : memref<1x16xf32, #tpu.memory_space<vmem_shared>> -> memref<16xf32, #tpu.memory_space<vmem_shared>>
        %dma_wait3A_215 = arith.constant 0 : i32
        %dma_wait3A_216 = tpu.memref_slice %arg11[%run_scoped3A_178, %dma_wait3A_215] : memref<16x16xf32, #tpu.memory_space<vmem_shared>> -> memref<1x16xf32, #tpu.memory_space<vmem_shared>>
        %dma_wait3A_217 = tpu.memref_squeeze %dma_wait3A_216 : memref<1x16xf32, #tpu.memory_space<vmem_shared>> -> memref<16xf32, #tpu.memory_space<vmem_shared>>
        tpu.wait_dma2 semaphore(%run_scoped3A_205 : memref<!tpu.dma_semaphore, #tpu.memory_space<semaphore_mem>>) src(%dma_wait3A_217 : memref<16xf32, #tpu.memory_space<vmem_shared>>) dst(%arg10 : memref<16xf32, #tpu.memory_space<vmem>>)
        tpu.yield
      }) : () -> ()
      %get3A_179 = arith.constant 0 : index
      %get3A_180 = tpu.vector_load %arg10[%get3A_179] {strides = array<i32>} : memref<16xf32, #tpu.memory_space<vmem>>, vector<16xf32>,
      %get3A_181 = vector.shape_cast %get3A_180 : vector<16xf32> to vector<16xf32>
      %add3A_182 = arith.addf %add3A_177, %get3A_181 : vector<16xf32>
      %run_scoped3A_183 = arith.constant 13 : i32
      "tpu.region"() ({
        %run_scoped3A_205 = tpu.sem_alloc : memref<!tpu.dma_semaphore, #tpu.memory_space<semaphore_mem>>
        %dma_start3A_206 = arith.constant 0 : i32
        %dma_start3A_207 = tpu.memref_slice %arg11[%run_scoped3A_183, %dma_start3A_206] : memref<16x16xf32, #tpu.memory_space<vmem_shared>> -> memref<1x16xf32, #tpu.memory_space<vmem_shared>>
        %dma_start3A_208 = tpu.memref_squeeze %dma_start3A_207 : memref<1x16xf32, #tpu.memory_space<vmem_shared>> -> memref<16xf32, #tpu.memory_space<vmem_shared>>
        %dma_start3A_209 = arith.constant 0 : i32
        %dma_start3A_210 = tpu.memref_slice %arg11[%run_scoped3A_183, %dma_start3A_209] : memref<16x16xf32, #tpu.memory_space<vmem_shared>> -> memref<1x16xf32, #tpu.memory_space<vmem_shared>>
        %dma_start3A_211 = tpu.memref_squeeze %dma_start3A_210 : memref<1x16xf32, #tpu.memory_space<vmem_shared>> -> memref<16xf32, #tpu.memory_space<vmem_shared>>
        tpu.enqueue_dma source(%dma_start3A_211 : memref<16xf32, #tpu.memory_space<vmem_shared>>) target(%arg10 : memref<16xf32, #tpu.memory_space<vmem>>) target_semaphore(%run_scoped3A_205 : memref<!tpu.dma_semaphore, #tpu.memory_space<semaphore_mem>>)
        %dma_wait3A_212 = arith.constant 0 : i32
        %dma_wait3A_213 = tpu.memref_slice %arg11[%run_scoped3A_183, %dma_wait3A_212] : memref<16x16xf32, #tpu.memory_space<vmem_shared>> -> memref<1x16xf32, #tpu.memory_space<vmem_shared>>
        %dma_wait3A_214 = tpu.memref_squeeze %dma_wait3A_213 : memref<1x16xf32, #tpu.memory_space<vmem_shared>> -> memref<16xf32, #tpu.memory_space<vmem_shared>>
        %dma_wait3A_215 = arith.constant 0 : i32
        %dma_wait3A_216 = tpu.memref_slice %arg11[%run_scoped3A_183, %dma_wait3A_215] : memref<16x16xf32, #tpu.memory_space<vmem_shared>> -> memref<1x16xf32, #tpu.memory_space<vmem_shared>>
        %dma_wait3A_217 = tpu.memref_squeeze %dma_wait3A_216 : memref<1x16xf32, #tpu.memory_space<vmem_shared>> -> memref<16xf32, #tpu.memory_space<vmem_shared>>
        tpu.wait_dma2 semaphore(%run_scoped3A_205 : memref<!tpu.dma_semaphore, #tpu.memory_space<semaphore_mem>>) src(%dma_wait3A_217 : memref<16xf32, #tpu.memory_space<vmem_shared>>) dst(%arg10 : memref<16xf32, #tpu.memory_space<vmem>>)
        tpu.yield
      }) : () -> ()
      %get3A_184 = arith.constant 0 : index
      %get3A_185 = tpu.vector_load %arg10[%get3A_184] {strides = array<i32>} : memref<16xf32, #tpu.memory_space<vmem>>, vector<16xf32>,
      %get3A_186 = vector.shape_cast %get3A_185 : vector<16xf32> to vector<16xf32>
      %add3A_187 = arith.addf %add3A_182, %get3A_186 : vector<16xf32>
      %run_scoped3A_188 = arith.constant 14 : i32
      "tpu.region"() ({
        %run_scoped3A_205 = tpu.sem_alloc : memref<!tpu.dma_semaphore, #tpu.memory_space<semaphore_mem>>
        %dma_start3A_206 = arith.constant 0 : i32
        %dma_start3A_207 = tpu.memref_slice %arg11[%run_scoped3A_188, %dma_start3A_206] : memref<16x16xf32, #tpu.memory_space<vmem_shared>> -> memref<1x16xf32, #tpu.memory_space<vmem_shared>>
        %dma_start3A_208 = tpu.memref_squeeze %dma_start3A_207 : memref<1x16xf32, #tpu.memory_space<vmem_shared>> -> memref<16xf32, #tpu.memory_space<vmem_shared>>
        %dma_start3A_209 = arith.constant 0 : i32
        %dma_start3A_210 = tpu.memref_slice %arg11[%run_scoped3A_188, %dma_start3A_209] : memref<16x16xf32, #tpu.memory_space<vmem_shared>> -> memref<1x16xf32, #tpu.memory_space<vmem_shared>>
        %dma_start3A_211 = tpu.memref_squeeze %dma_start3A_210 : memref<1x16xf32, #tpu.memory_space<vmem_shared>> -> memref<16xf32, #tpu.memory_space<vmem_shared>>
        tpu.enqueue_dma source(%dma_start3A_211 : memref<16xf32, #tpu.memory_space<vmem_shared>>) target(%arg10 : memref<16xf32, #tpu.memory_space<vmem>>) target_semaphore(%run_scoped3A_205 : memref<!tpu.dma_semaphore, #tpu.memory_space<semaphore_mem>>)
        %dma_wait3A_212 = arith.constant 0 : i32
        %dma_wait3A_213 = tpu.memref_slice %arg11[%run_scoped3A_188, %dma_wait3A_212] : memref<16x16xf32, #tpu.memory_space<vmem_shared>> -> memref<1x16xf32, #tpu.memory_space<vmem_shared>>
        %dma_wait3A_214 = tpu.memref_squeeze %dma_wait3A_213 : memref<1x16xf32, #tpu.memory_space<vmem_shared>> -> memref<16xf32, #tpu.memory_space<vmem_shared>>
        %dma_wait3A_215 = arith.constant 0 : i32
        %dma_wait3A_216 = tpu.memref_slice %arg11[%run_scoped3A_188, %dma_wait3A_215] : memref<16x16xf32, #tpu.memory_space<vmem_shared>> -> memref<1x16xf32, #tpu.memory_space<vmem_shared>>
        %dma_wait3A_217 = tpu.memref_squeeze %dma_wait3A_216 : memref<1x16xf32, #tpu.memory_space<vmem_shared>> -> memref<16xf32, #tpu.memory_space<vmem_shared>>
        tpu.wait_dma2 semaphore(%run_scoped3A_205 : memref<!tpu.dma_semaphore, #tpu.memory_space<semaphore_mem>>) src(%dma_wait3A_217 : memref<16xf32, #tpu.memory_space<vmem_shared>>) dst(%arg10 : memref<16xf32, #tpu.memory_space<vmem>>)
        tpu.yield
      }) : () -> ()
      %get3A_189 = arith.constant 0 : index
      %get3A_190 = tpu.vector_load %arg10[%get3A_189] {strides = array<i32>} : memref<16xf32, #tpu.memory_space<vmem>>, vector<16xf32>,
      %get3A_191 = vector.shape_cast %get3A_190 : vector<16xf32> to vector<16xf32>
      %add3A_192 = arith.addf %add3A_187, %get3A_191 : vector<16xf32>
      %run_scoped3A_193 = arith.constant 15 : i32
      "tpu.region"() ({
        %run_scoped3A_205 = tpu.sem_alloc : memref<!tpu.dma_semaphore, #tpu.memory_space<semaphore_mem>>
        %dma_start3A_206 = arith.constant 0 : i32
        %dma_start3A_207 = tpu.memref_slice %arg11[%run_scoped3A_193, %dma_start3A_206] : memref<16x16xf32, #tpu.memory_space<vmem_shared>> -> memref<1x16xf32, #tpu.memory_space<vmem_shared>>
        %dma_start3A_208 = tpu.memref_squeeze %dma_start3A_207 : memref<1x16xf32, #tpu.memory_space<vmem_shared>> -> memref<16xf32, #tpu.memory_space<vmem_shared>>
        %dma_start3A_209 = arith.constant 0 : i32
        %dma_start3A_210 = tpu.memref_slice %arg11[%run_scoped3A_193, %dma_start3A_209] : memref<16x16xf32, #tpu.memory_space<vmem_shared>> -> memref<1x16xf32, #tpu.memory_space<vmem_shared>>
        %dma_start3A_211 = tpu.memref_squeeze %dma_start3A_210 : memref<1x16xf32, #tpu.memory_space<vmem_shared>> -> memref<16xf32, #tpu.memory_space<vmem_shared>>
        tpu.enqueue_dma source(%dma_start3A_211 : memref<16xf32, #tpu.memory_space<vmem_shared>>) target(%arg10 : memref<16xf32, #tpu.memory_space<vmem>>) target_semaphore(%run_scoped3A_205 : memref<!tpu.dma_semaphore, #tpu.memory_space<semaphore_mem>>)
        %dma_wait3A_212 = arith.constant 0 : i32
        %dma_wait3A_213 = tpu.memref_slice %arg11[%run_scoped3A_193, %dma_wait3A_212] : memref<16x16xf32, #tpu.memory_space<vmem_shared>> -> memref<1x16xf32, #tpu.memory_space<vmem_shared>>
        %dma_wait3A_214 = tpu.memref_squeeze %dma_wait3A_213 : memref<1x16xf32, #tpu.memory_space<vmem_shared>> -> memref<16xf32, #tpu.memory_space<vmem_shared>>
        %dma_wait3A_215 = arith.constant 0 : i32
        %dma_wait3A_216 = tpu.memref_slice %arg11[%run_scoped3A_193, %dma_wait3A_215] : memref<16x16xf32, #tpu.memory_space<vmem_shared>> -> memref<1x16xf32, #tpu.memory_space<vmem_shared>>
        %dma_wait3A_217 = tpu.memref_squeeze %dma_wait3A_216 : memref<1x16xf32, #tpu.memory_space<vmem_shared>> -> memref<16xf32, #tpu.memory_space<vmem_shared>>
        tpu.wait_dma2 semaphore(%run_scoped3A_205 : memref<!tpu.dma_semaphore, #tpu.memory_space<semaphore_mem>>) src(%dma_wait3A_217 : memref<16xf32, #tpu.memory_space<vmem_shared>>) dst(%arg10 : memref<16xf32, #tpu.memory_space<vmem>>)
        tpu.yield
      }) : () -> ()
      %get3A_194 = arith.constant 0 : index
      %get3A_195 = tpu.vector_load %arg10[%get3A_194] {strides = array<i32>} : memref<16xf32, #tpu.memory_space<vmem>>, vector<16xf32>,
      %get3A_196 = vector.shape_cast %get3A_195 : vector<16xf32> to vector<16xf32>
      %add3A_197 = arith.addf %add3A_192, %get3A_196 : vector<16xf32>
      %mul3A_198 = arith.constant 1.01725263E-5 : f32
      %mul3A_199 = vector.broadcast %mul3A_198 : f32 to vector<16xf32>
      %mul3A_200 = arith.mulf %add3A_197, %mul3A_199 : vector<16xf32>
      %swap3A_201 = arith.constant 0 : index
      %swap3A_202 = tpu.vector_load %arg12[%swap3A_201] {strides = array<i32>} : memref<16xf32, #tpu.memory_space<vmem>>, vector<16xf32>,
      %swap3A_203 = vector.shape_cast %swap3A_202 : vector<16xf32> to vector<16xf32>
      %swap3A_204 = vector.shape_cast %mul3A_200 : vector<16xf32> to vector<16xf32>
      tpu.vector_store %arg12[%swap3A_201], %swap3A_204 {strides = array<i32>} : memref<16xf32, #tpu.memory_space<vmem>>, vector<16xf32>,
      "tpu.region"() ({
        %run_scoped3A_205 = tpu.sem_alloc : memref<!tpu.dma_semaphore, #tpu.memory_space<semaphore_mem>>
        %dma_start3A_206 = arith.constant 0 : i32
        %dma_start3A_207 = tpu.memref_slice %arg5[%arg0, %dma_start3A_206] : memref<2x16xf32, #tpu.memory_space<hbm>> -> memref<1x16xf32, #tpu.memory_space<hbm>>
        %dma_start3A_208 = tpu.memref_squeeze %dma_start3A_207 : memref<1x16xf32, #tpu.memory_space<hbm>> -> memref<16xf32, #tpu.memory_space<hbm>>
        %dma_start3A_209 = arith.constant 0 : i32
        %dma_start3A_210 = tpu.memref_slice %arg5[%arg0, %dma_start3A_209] : memref<2x16xf32, #tpu.memory_space<hbm>> -> memref<1x16xf32, #tpu.memory_space<hbm>>
        %dma_start3A_211 = tpu.memref_squeeze %dma_start3A_210 : memref<1x16xf32, #tpu.memory_space<hbm>> -> memref<16xf32, #tpu.memory_space<hbm>>
        tpu.enqueue_dma source(%arg12 : memref<16xf32, #tpu.memory_space<vmem>>) target(%dma_start3A_211 : memref<16xf32, #tpu.memory_space<hbm>>) target_semaphore(%run_scoped3A_205 : memref<!tpu.dma_semaphore, #tpu.memory_space<semaphore_mem>>)
        %dma_wait3A_212 = arith.constant 0 : i32
        %dma_wait3A_213 = tpu.memref_slice %arg5[%arg0, %dma_wait3A_212] : memref<2x16xf32, #tpu.memory_space<hbm>> -> memref<1x16xf32, #tpu.memory_space<hbm>>
        %dma_wait3A_214 = tpu.memref_squeeze %dma_wait3A_213 : memref<1x16xf32, #tpu.memory_space<hbm>> -> memref<16xf32, #tpu.memory_space<hbm>>
        %dma_wait3A_215 = arith.constant 0 : i32
        %dma_wait3A_216 = tpu.memref_slice %arg5[%arg0, %dma_wait3A_215] : memref<2x16xf32, #tpu.memory_space<hbm>> -> memref<1x16xf32, #tpu.memory_space<hbm>>
        %dma_wait3A_217 = tpu.memref_squeeze %dma_wait3A_216 : memref<1x16xf32, #tpu.memory_space<hbm>> -> memref<16xf32, #tpu.memory_space<hbm>>
        tpu.wait_dma2 semaphore(%run_scoped3A_205 : memref<!tpu.dma_semaphore, #tpu.memory_space<semaphore_mem>>) src(%arg12 : memref<16xf32, #tpu.memory_space<vmem>>) dst(%dma_wait3A_217 : memref<16xf32, #tpu.memory_space<hbm>>)
        tpu.yield
      }) : () -> ()
    } else {
    }
    return
  }
}

module attributes {stable_mosaic.version = 14 : i64} {
  func.func @_argmin_body(%arg0: i32, %arg1: memref<512x128xf32, #tpu.memory_space<vmem>>, %arg2: memref<3x8192xf32, #tpu.memory_space<vmem>>, %arg3: memref<64x128xi32, #tpu.memory_space<vmem>>, %arg4: memref<64x128xi32, #tpu.memory_space<vmem>>, %arg5: memref<1x8192xf32, #tpu.memory_space<vmem>>, %arg6: memref<1x8192xi32, #tpu.memory_space<vmem>>) attributes {dimension_semantics = [#tpu.dimension_semantics<arbitrary>], iteration_bounds = array<i64: 16>, scalar_prefetch = 0 : i64, scratch_operands = 2 : i64, tpu.core_type = #tpu.core_type<tc>, window_params = [{transform_indices = @transform_0, window_bounds = array<i64: 512, 128>}, {pipeline_mode = #tpu.pipeline_mode<synchronous>, transform_indices = @transform_1, window_bounds = array<i64: 3, 8192>}, {pipeline_mode = #tpu.pipeline_mode<synchronous>, transform_indices = @transform_2, window_bounds = array<i64: 64, 128>}, {pipeline_mode = #tpu.pipeline_mode<synchronous>, transform_indices = @transform_3, window_bounds = array<i64: 64, 128>}]} {
    %get3A = arith.constant 0 : index
    %get3A_0 = arith.constant 0 : index
    %get3A_1 = vector.load %arg1[%get3A, %get3A_0] : memref<512x128xf32, #tpu.memory_space<vmem>>, vector<512x3xf32>
    %get3A_2 = arith.constant 0 : index
    %get3A_3 = arith.constant 0 : index
    %get3A_4 = vector.load %arg2[%get3A_2, %get3A_3] : memref<3x8192xf32, #tpu.memory_space<vmem>>, vector<3x8192xf32>
    %mul3A = arith.mulf %get3A_1, %get3A_1 : vector<512x3xf32>
    %reduce_sum3A = arith.constant dense<0.000000e+00> : vector<512xf32>
    %reduce_sum3A_5 = vector.multi_reduction <add>, %mul3A, %reduce_sum3A [1] : vector<512x3xf32> to vector<512xf32>
    %broadcast_in_dim3A = vector.shape_cast %reduce_sum3A_5 : vector<512xf32> to vector<512x1xf32>
    %mul3A_6 = arith.constant 2.500000e-01 : f32
    %mul3A_7 = vector.broadcast %mul3A_6 : f32 to vector<512x1xf32>
    %mul3A_8 = arith.mulf %mul3A_7, %broadcast_in_dim3A : vector<512x1xf32>
    %mul3A_9 = arith.mulf %get3A_4, %get3A_4 : vector<3x8192xf32>
    %reduce_sum3A_10 = arith.constant dense<0.000000e+00> : vector<8192xf32>
    %reduce_sum3A_11 = vector.multi_reduction <add>, %mul3A_9, %reduce_sum3A_10 [0] : vector<3x8192xf32> to vector<8192xf32>
    %broadcast_in_dim3A_12 = vector.shape_cast %reduce_sum3A_11 : vector<8192xf32> to vector<1x8192xf32>
    %convert_element_type3A = arith.truncf %get3A_1 : vector<512x3xf32> to vector<512x3xbf16>
    %convert_element_type3A_13 = arith.truncf %get3A_4 : vector<3x8192xf32> to vector<3x8192xbf16>
    %dot_general3A = arith.constant dense<0.000000e+00> : vector<512x8192xf32>
    %dot_general3A_14 = tpu.matmul %convert_element_type3A, %convert_element_type3A_13, %dot_general3A {dimension_numbers = #tpu.dot_dimension_numbers<[1], [0], [0], [1], [0, 0, 1, 1], [], []>, transpose_lhs_hint = false} : vector<512x3xbf16>, vector<3x8192xbf16>, vector<512x8192xf32> -> vector<512x8192xf32>
    %add3A = vector.broadcast %mul3A_8 : vector<512x1xf32> to vector<512x8192xf32>
    %add3A_15 = arith.addf %add3A, %dot_general3A_14 : vector<512x8192xf32>
    %add3A_16 = vector.broadcast %broadcast_in_dim3A_12 : vector<1x8192xf32> to vector<512x8192xf32>
    %add3A_17 = arith.addf %add3A_15, %add3A_16 : vector<512x8192xf32>
    %bitcast_convert_type3A = tpu.bitcast %add3A_17 : vector<512x8192xf32> -> vector<512x8192xi32>
    %and3A = arith.constant -8192 : i32
    %and3A_18 = vector.broadcast %and3A : i32 to vector<512x8192xi32>
    %and3A_19 = arith.andi %bitcast_convert_type3A, %and3A_18 : vector<512x8192xi32>
    %iota3A = tpu.iota {dimensions = array<i32: 1>} : vector<512x8192xi32>
    %iota3A_20 = tpu.iota {dimensions = array<i32: 0>} : vector<512x8192xi32>
    %mul3A_21 = arith.constant 512 : i32
    %mul3A_22 = arith.muli %arg0, %mul3A_21 : i32
    %add3A_23 = vector.broadcast %mul3A_22 : i32 to vector<512x8192xi32>
    %add3A_24 = arith.addi %iota3A_20, %add3A_23 : vector<512x8192xi32>
    %or3A = arith.ori %and3A_19, %iota3A : vector<512x8192xi32>
    %bitcast_convert_type3A_25 = tpu.bitcast %or3A : vector<512x8192xi32> -> vector<512x8192xf32>
    %reduce_min3A = arith.constant dense<0x7F800000> : vector<512xf32>
    %reduce_min3A_26 = vector.multi_reduction <minimumf>, %bitcast_convert_type3A_25, %reduce_min3A [1] : vector<512x8192xf32> to vector<512xf32>
    %broadcast_in_dim3A_27 = vector.shape_cast %reduce_min3A_26 : vector<512xf32> to vector<512x1xf32>
    %bitcast_convert_type3A_28 = tpu.bitcast %broadcast_in_dim3A_27 : vector<512x1xf32> -> vector<512x1xi32>
    %and3A_29 = arith.constant 8191 : i32
    %and3A_30 = vector.broadcast %and3A_29 : i32 to vector<512x1xi32>
    %and3A_31 = arith.andi %bitcast_convert_type3A_28, %and3A_30 : vector<512x1xi32>
    %reshape3A = vector.shape_cast %and3A_31 : vector<512x1xi32> to vector<1x512xi32>
    %mul3A_32 = arith.constant 512 : i32
    %mul3A_33 = arith.muli %arg0, %mul3A_32 : i32
    %swap3A = arith.constant 0 : index
    %swap3A_34 = arith.index_cast %mul3A_33 : i32 to index
    %swap3A_35 = vector.load %arg6[%swap3A, %swap3A_34] : memref<1x8192xi32, #tpu.memory_space<vmem>>, vector<1x512xi32>
    tpu.vector_store %arg6[%swap3A, %swap3A_34], %reshape3A {strides = array<i32>} : memref<1x8192xi32, #tpu.memory_space<vmem>>, vector<1x512xi32>,
    %or3A_36 = arith.ori %and3A_19, %add3A_24 : vector<512x8192xi32>
    %bitcast_convert_type3A_37 = tpu.bitcast %or3A_36 : vector<512x8192xi32> -> vector<512x8192xf32>
    %reduce_min3A_38 = arith.constant dense<0x7F800000> : vector<8192xf32>
    %reduce_min3A_39 = vector.multi_reduction <minimumf>, %bitcast_convert_type3A_37, %reduce_min3A_38 [0] : vector<512x8192xf32> to vector<8192xf32>
    %broadcast_in_dim3A_40 = vector.shape_cast %reduce_min3A_39 : vector<8192xf32> to vector<1x8192xf32>
    %eq3A = arith.constant 0 : i32
    %eq3A_41 = arith.cmpi eq, %arg0, %eq3A : i32
    %convert_element_type3A_42 = arith.extui %eq3A_41 : i1 to i32
    %cond3A = arith.constant 0 : i32
    %cond3A_43 = arith.cmpi ne, %convert_element_type3A_42, %cond3A : i32
    scf.if %cond3A_43 {
      %swap3A_53 = arith.constant 0 : index
      %swap3A_54 = arith.constant 0 : index
      %swap3A_55 = vector.load %arg5[%swap3A_53, %swap3A_54] : memref<1x8192xf32, #tpu.memory_space<vmem>>, vector<1x8192xf32>
      tpu.vector_store %arg5[%swap3A_53, %swap3A_54], %broadcast_in_dim3A_40 {strides = array<i32>} : memref<1x8192xf32, #tpu.memory_space<vmem>>, vector<1x8192xf32>,
    } else {
    }
    %gt3A = arith.constant 0 : i32
    %gt3A_44 = arith.cmpi sgt, %arg0, %gt3A : i32
    %convert_element_type3A_45 = arith.extui %gt3A_44 : i1 to i32
    %cond3A_46 = arith.constant 0 : i32
    %cond3A_47 = arith.cmpi ne, %convert_element_type3A_45, %cond3A_46 : i32
    scf.if %cond3A_47 {
      %get3A_53 = arith.constant 0 : index
      %get3A_54 = arith.constant 0 : index
      %get3A_55 = vector.load %arg5[%get3A_53, %get3A_54] : memref<1x8192xf32, #tpu.memory_space<vmem>>, vector<1x8192xf32>
      %min3A = arith.minimumf %get3A_55, %broadcast_in_dim3A_40 : vector<1x8192xf32>
      %swap3A_56 = arith.constant 0 : index
      %swap3A_57 = arith.constant 0 : index
      %swap3A_58 = vector.load %arg5[%swap3A_56, %swap3A_57] : memref<1x8192xf32, #tpu.memory_space<vmem>>, vector<1x8192xf32>
      tpu.vector_store %arg5[%swap3A_56, %swap3A_57], %min3A {strides = array<i32>} : memref<1x8192xf32, #tpu.memory_space<vmem>>, vector<1x8192xf32>,
    } else {
    }
    %eq3A_48 = arith.constant 15 : i32
    %eq3A_49 = arith.cmpi eq, %arg0, %eq3A_48 : i32
    %convert_element_type3A_50 = arith.extui %eq3A_49 : i1 to i32
    %cond3A_51 = arith.constant 0 : i32
    %cond3A_52 = arith.cmpi ne, %convert_element_type3A_50, %cond3A_51 : i32
    scf.if %cond3A_52 {
      %get3A_53 = arith.constant 0 : index
      %get3A_54 = arith.constant 0 : index
      %get3A_55 = vector.load %arg6[%get3A_53, %get3A_54] : memref<1x8192xi32, #tpu.memory_space<vmem>>, vector<1x8192xi32>
      %reshape3A_56 = vector.shape_cast %get3A_55 : vector<1x8192xi32> to vector<64x128xi32>
      %add3A_57 = arith.constant 8192 : i32
      %add3A_58 = vector.broadcast %add3A_57 : i32 to vector<64x128xi32>
      %add3A_59 = arith.addi %reshape3A_56, %add3A_58 : vector<64x128xi32>
      %swap3A_60 = arith.constant 0 : index
      %swap3A_61 = arith.constant 0 : index
      %swap3A_62 = vector.load %arg3[%swap3A_60, %swap3A_61] : memref<64x128xi32, #tpu.memory_space<vmem>>, vector<64x128xi32>
      tpu.vector_store %arg3[%swap3A_60, %swap3A_61], %add3A_59 {strides = array<i32>} : memref<64x128xi32, #tpu.memory_space<vmem>>, vector<64x128xi32>,
      %get3A_63 = arith.constant 0 : index
      %get3A_64 = arith.constant 0 : index
      %get3A_65 = vector.load %arg5[%get3A_63, %get3A_64] : memref<1x8192xf32, #tpu.memory_space<vmem>>, vector<1x8192xf32>
      %bitcast_convert_type3A_66 = tpu.bitcast %get3A_65 : vector<1x8192xf32> -> vector<1x8192xi32>
      %and3A_67 = arith.constant 8191 : i32
      %and3A_68 = vector.broadcast %and3A_67 : i32 to vector<1x8192xi32>
      %and3A_69 = arith.andi %bitcast_convert_type3A_66, %and3A_68 : vector<1x8192xi32>
      %reshape3A_70 = vector.shape_cast %and3A_69 : vector<1x8192xi32> to vector<64x128xi32>
      %swap3A_71 = arith.constant 0 : index
      %swap3A_72 = arith.constant 0 : index
      %swap3A_73 = vector.load %arg4[%swap3A_71, %swap3A_72] : memref<64x128xi32, #tpu.memory_space<vmem>>, vector<64x128xi32>
      tpu.vector_store %arg4[%swap3A_71, %swap3A_72], %reshape3A_70 {strides = array<i32>} : memref<64x128xi32, #tpu.memory_space<vmem>>, vector<64x128xi32>,
    } else {
    }
    return
  }
  func.func @transform_0(%arg0: i32) -> (i32, i32) {
    %c0_i32 = arith.constant 0 : i32
    %c0_i32_0 = arith.constant 0 : i32
    return %arg0, %c0_i32 : i32, i32
  }
  func.func @transform_1(%arg0: i32) -> (i32, i32) {
    %c0_i32 = arith.constant 0 : i32
    %c0_i32_0 = arith.constant 0 : i32
    %c0_i32_1 = arith.constant 0 : i32
    return %c0_i32, %c0_i32_0 : i32, i32
  }
  func.func @transform_2(%arg0: i32) -> (i32, i32) {
    %c0_i32 = arith.constant 0 : i32
    %c0_i32_0 = arith.constant 0 : i32
    %c0_i32_1 = arith.constant 0 : i32
    return %c0_i32, %c0_i32_0 : i32, i32
  }
  func.func @transform_3(%arg0: i32) -> (i32, i32) {
    %c0_i32 = arith.constant 0 : i32
    %c0_i32_0 = arith.constant 0 : i32
    %c0_i32_1 = arith.constant 0 : i32
    return %c0_i32, %c0_i32_0 : i32, i32
  }
}

</mosaic_0001>

<sc_bundles>
// kernel: kernel.4.cloned.1.call-start
scs
__scs_entry_jumppad:
0x0: {  	(pc) =	sbr.rel $0x88, $3  }
0x1: {  	(tag) =	ssettag $0x0;
	lr =	simm.s32 $0x1  }
0x2: {  	[smem:$0x3F9F] =	sst lr;
	_ =	strace $0xD0000000  }
0x3: {  	_ = 	snop  }
0x4: {  	_ = 	snop  }
0x5: {  	_ = 	snop  }
0x6: {  	_ = 	snop  }
0x7: {  	_ = 	snop  }
__scs_overlays_trampoline_lowered:
0x8: {  	[smem:$0x3FAE] =	sst s0  }
0x9: {  	[smem:$0x3FAF] =	sst s1  }
0xa: {  	[smem:$0x3FB0] =	sst s2  }
0xb: {  	[smem:$0x3FB1] =	sst s3  }
0xc: {  	[smem:$0x3FB2] =	sst s4  }
0xd: {  	[smem:$0x3FB3] =	sst s5  }
0xe: {  	[smem:$0x3FB4] =	sst s6  }
0xf: {  	[smem:$0x3FB5] =	sst s7  }
0x10: {  	[smem:$0x3FB6] =	sst s8  }
0x11: {  	[smem:$0x3FB7] =	sst s9;
	s0 =	simm.s32 @!p0 $0x0  }
0x12: {  	s1 =	sld [smem:$0x3F9D];
	s0 =	simm.s32 @p0 $0x1  }
0x13: {  	[smem:$0x3FB8] =	sst s0;
	s0 =	simm.s32 @!p1 $0x0  }
0x14: {  	s2 =	sld [smem:$0x3F9C];
	s0 =	simm.s32 @p1 $0x1  }
0x15: {  	[smem:$0x3FB9] =	sst s0;
	s0 =	simm.s32 @!p2 $0x0  }
0x16: {  	s3 =	sld [smem:$0x3FDB];
	s0 =	simm.s32 @p2 $0x1  }
0x17: {  	s4 =	simm.s32 $0x1BF5;
	[smem:$0x3FBB] =	sst s0  }
0x18: {  	s0 =	sld [smem:$0x3F9E];
	_ =	swait.ge [sflag:s4], $0x0  }
0x19: {  	s7 =	sld [smem:$0x3F9F]  }
0x1a: {  	s8 =	sadd.s32 $0xFFFFE003, lr  }
0x1b: {  	s9 =	sadd.s32 $0xFFFFFEF7, lr;
	s5 =	simm.s32 $0xFFFFFFFF;
	p2 =	slt.u32 s8, $0xFFFFF086  }
0x1c: {  	p1 =	slt.u32 s9, $0xF7A;
	s5 =	simm.s32 @!p2 $0x0  }
0x1d: {  	s5 =	simm.s32 @p1 $0x1;
	p0 =	seq.s32 s7, s2  }
0x1e: {  	s7 =	smul.u32 @!p0 $0xF7A, s2;
	p2 =	seq.s32 @!p0 s5, $0x0  }
0x1f: {  	s9 =	smul.u32 $0xF7A, s1;
	s8 =	simm.s32 @!p0 $0x1BF5;
	p2 =	por !p2, p0  }
0x20: {  	[sflag:s8] =	ssyncset.s32 @!p0 $0xFFFFF086;
	s6 =	sadd.s32 @!p0 s3, s7;
	s7 =	simm.s32 @!p0 $0x108  }
0x21: {  	s3 =	sadd.s32 s3, s9;
	s6 =	sadd.s32 @!p0 $0x88, s6;
	s7 =	simm.s32 @p2 $0x1082  }
0x22: {  	[simem:s7], [sflag:s8] =	dma.local @!p0 [hbm:s6], $0xF7A  }
0x23: {  	s9 =	sor.u32 $0xD0000000, s2;
	s6 =	simm.s32 $0x108;
	_ =	swait.ge @!p0 [sflag:s8], $0x0  }
0x24: {  	s3 =	sadd.s32 $0x88, s3;
	s6 =	simm.s32 @!p1 $0x1082;
	[sflag:s4] =	ssyncset.s32 $0xFFFFF086  }
0x25: {  	[simem:s6], [sflag:s4] =	dma.local [hbm:s3], $0xF7A  }
0x26: {  	[smem:$0x3F9F] =	sst s1;
	(tag) =	ssettag s2;
	_ =	strace s9  }
0x27: {  	s1 =	sld [smem:$0x3FAF]  }
0x28: {  	s2 =	sld [smem:$0x3FB0]  }
0x29: {  	s4 =	sld [smem:$0x3FB2]  }
0x2a: {  	p0 =	seq.s32 s5, $0x0;
	s5 =	sld [smem:$0x3FB3]  }
0x2b: {  	s6 =	sld [smem:$0x3FB4]  }
0x2c: {  	s7 =	sld [smem:$0x3FB5]  }
0x2d: {  	s3 =	simm.s32 $0x108;
	s8 =	sld [smem:$0x3FB6]  }
0x2e: {  	s3 =	simm.s32 @!p0 $0x1082;
	s9 =	sld [smem:$0x3FB7]  }
0x2f: {  	lr =	sadd.s32 s0, s3;
	s0 =	sld [smem:$0x3FAE]  }
0x30: {  	s3 =	sld [smem:$0x3FB1]  }
0x31: {  	[smem:$0x3FBA] =	sst s10  }
0x32: {  	s10 =	sld [smem:$0x3FB8];
	_ =	sdelay $0x3  }
0x33: {  	p0 =	seq.s32 s10, $0x1;
	s10 =	sld [smem:$0x3FBA];
	_ =	sdelay $0x3  }
0x34: {  	[smem:$0x3FBA] =	sst s10  }
0x35: {  	s10 =	sld [smem:$0x3FB9];
	_ =	sdelay $0x3  }
0x36: {  	p1 =	seq.s32 s10, $0x1;
	s10 =	sld [smem:$0x3FBA];
	_ =	sdelay $0x3  }
0x37: {  	[smem:$0x3FBA] =	sst s10  }
0x38: {  	s10 =	sld [smem:$0x3FBB]  }
0x39: {  	_ = 	snop;
	(pc) =	sbr.ind lr, $3  }
0x3a: {  	_ = 	snop  }
0x3b: {  	_ = 	snop  }
0x3c: {  	p2 =	seq.s32 s10, $0x1;
	s10 =	sld [smem:$0x3FBA]  }
0x3d: {  	_ =	shalt  }
0x3e: {  	_ =	shalt  }
0x3f: {  	_ =	shalt  }
0x40: {  	_ =	shalt  }
0x41: {  	_ =	shalt  }
0x42: {  	_ =	shalt  }
0x43: {  	_ =	shalt  }
0x44: {  	_ =	shalt  }
0x45: {  	_ =	shalt  }
0x46: {  	_ =	shalt  }
0x47: {  	_ =	shalt  }
0x48: {  	_ =	shalt  }
0x49: {  	_ =	shalt  }
0x4a: {  	_ =	shalt  }
0x4b: {  	_ =	shalt  }
0x4c: {  	_ =	shalt  }
0x4d: {  	_ =	shalt  }
0x4e: {  	_ =	shalt  }
0x4f: {  	_ =	shalt  }
0x50: {  	_ =	shalt  }
0x51: {  	_ =	shalt  }
0x52: {  	_ =	shalt  }
0x53: {  	_ =	shalt  }
0x54: {  	_ =	shalt  }
0x55: {  	_ =	shalt  }
0x56: {  	_ =	shalt  }
0x57: {  	_ =	shalt  }
0x58: {  	_ =	shalt  }
0x59: {  	_ =	shalt  }
0x5a: {  	_ =	shalt  }
0x5b: {  	_ =	shalt  }
0x5c: {  	_ =	shalt  }
0x5d: {  	_ =	shalt  }
0x5e: {  	_ =	shalt  }
0x5f: {  	_ =	shalt  }
0x60: {  	_ =	shalt  }
0x61: {  	_ =	shalt  }
0x62: {  	_ =	shalt  }
0x63: {  	_ =	shalt  }
0x64: {  	_ =	shalt  }
0x65: {  	_ =	shalt  }
0x66: {  	_ =	shalt  }
0x67: {  	_ =	shalt  }
0x68: {  	_ =	shalt  }
0x69: {  	_ =	shalt  }
0x6a: {  	_ =	shalt  }
0x6b: {  	_ =	shalt  }
0x6c: {  	_ =	shalt  }
0x6d: {  	_ =	shalt  }
0x6e: {  	_ =	shalt  }
0x6f: {  	_ =	shalt  }
0x70: {  	_ =	shalt  }
0x71: {  	_ =	shalt  }
0x72: {  	_ =	shalt  }
0x73: {  	_ =	shalt  }
0x74: {  	_ =	shalt  }
0x75: {  	_ =	shalt  }
0x76: {  	_ =	shalt  }
0x77: {  	_ =	shalt  }
0x78: {  	_ =	shalt  }
0x79: {  	_ =	shalt  }
0x7a: {  	_ =	shalt  }
0x7b: {  	_ =	shalt  }
0x7c: {  	_ =	shalt  }
0x7d: {  	_ =	shalt  }
0x7e: {  	_ =	shalt  }
0x7f: {  	_ =	shalt  }
0x80: {  	_ =	shalt  }
0x81: {  	_ =	shalt  }
0x82: {  	_ =	shalt  }
0x83: {  	_ =	shalt  }
0x84: {  	_ =	shalt  }
0x85: {  	_ =	shalt  }
0x86: {  	_ =	shalt  }
0x87: {  	_ =	shalt  }
.Lfunc_end0:
.L_simem_size_0:
called_computation_lowered:
.L_overlay_start_0:
0x88: {  	s2 =	sld [smem:$0x3FD9]  }
0x89: {  	s3 =	sld [smem:$0x3FFE];
	_ =	sdelay $0x1  }
0x8a: {  	s1 =	srdreg.scid  }
0x8b: {  	s0 =	sand.u32 $0x1, s1  }
0x8c: {  	s16 =	sshll.u32 s0, $0xA;
	s2 =	sadd.s32 s3, s2  }
0x8d: {  	s2 =	sadd.s32 s2, s16  }
0x8e: {  	[smem:$0x3FC6] =	sst s2  }
0x8f: {  	_ = 	snop  }
0x90: {  	(tm) =	ssettm $0x1  }
0x91: {  	s17 =	sld [smem:$0x3FFB];
	_ =	sdelay $0x3  }
0x92: {  	_ =	strace s17  }
0x93: {  	s2 =	sld [smem:$0x3FFC];
	_ =	sdelay $0x3  }
0x94: {  	_ =	strace s2  }
0x95: {  	s2 =	sld [smem:$0x3FFD];
	_ =	sdelay $0x3  }
0x96: {  	_ =	strace s2  }
0x97: {  	_ =	strace $0x8FFFFFFF  }
0x98: {  	s18 =	sld [smem:$0x3FDB];
	_ =	sdelay $0x1  }
0x99: {  	s19 =	simm.s32 $_scs_section_size  }
0x9a: {  	s4 =	simm.s32 $_size__tile_overlayer_lowered;
	s5 =	simm.s32 $_tile_overlayer_lowered  }
0x9b: {  	s22 =	simm.s32 $0x1BFF;
	s21 =	sshll.u32 s5, $0x1;
	s2 =	sadd.s32 s19, s18  }
0x9c: {  	s6 =	simm.s32 $0x0;
	s20 =	sshll.u32 s4, $0x1;
	s4 =	sadd.s32 s21, s2  }
0x9d: {  	[timem:s6], [sflag:s22] =	dma.local [hbm:s4], s20  }
0x9e: {  	_ =	swait.ge [sflag:s22], s20  }
0x9f: {  	s3 =	ssub.s32 $0x0, s20;
	[sflag:s22] =	ssyncset.done $0x0  }
0xa0: {  	[sflag:s22] =	ssyncadd.s32 s3;
	_ =	sdelay $0x1  }
0xa1: {  	s23 =	simm.s32 $0x1B8B  }
0xa2: {  	_ =	swait.ge [sflag:s23], $0x1  }
0xa3: {  	[sflag:s23] =	ssyncset.done $0x0  }
0xa4: {  	s25 =	simm.s32 $0x1B8E;
	s24 =	sld [smem:$0x3FFE];
	[sflag:s23] =	ssyncadd.s32 $0xFFFFFFFF  }
0xa5: {  	s26 =	simm.s32 $execute0_lowered;
	[smem:$0x3FD2] =	sst s25  }
0xa6: {  	s4 =	sshll.u32 s26, $0x1;
	_ =	strace $0x80000046;
	[dreg:$0x1] =	wrdreg $0xFFFFFFFF  }
0xa7: {  	s28 =	simm.s32 $_size_execute0_lowered;
	s2 =	sadd.s32 s2, s4;
	[dreg:$0x0] =	wrdreg $0x0  }
0xa8: {  	s4 =	sshll.u32 s28, $0x1;
	[dreg:$0x2] =	wrdreg s2  }
0xa9: {  	[dreg:$0x3] =	wrdreg s4  }
0xaa: {  	[dreg:$0x4] =	wrdreg $0xC0  }
0xab: {  	_ =	task [dreg:s6], $0x5FFFF  }
0xac: {  	[dreg:$0x1] =	wrdreg $0xFFFFFFFF  }
0xad: {  	[dreg:$0x0] =	wrdreg $0x60  }
0xae: {  	[dreg:$0x2] =	wrdreg s24  }
0xaf: {  	[dreg:$0x3] =	wrdreg $0x102800  }
0xb0: {  	[dreg:$0x4] =	wrdreg $0x9  }
0xb1: {  	_ =	task.clear_ibuf [dreg:s6], $0x5FFFF;
	_ =	strace $0x90000046  }
0xb2: {  	s29 =	simm.s32 $0x9;
	_ =	strace $0x80000048  }
0xb3: {  	_ =	swait.ge [sflag:s29], $0x1  }
0xb4: {  	[sflag:s29] =	ssyncadd.s32 $0xFFFFFFFF  }
0xb5: {  	_ =	strace $0x90000048  }
0xb6: {  	_ =	sfence  }
0xb7: {  	s30 =	sld [smem:$0x0];
	_ =	sdelay $0x2  }
0xb8: {  	s31 =	sshll.u32 s1, $0xD;
	s1 =	sshrl.u32 s1, $0x2  }
0xb9: {  	s3 =	sand.u32 $0x4000, s31;
	s1 =	sadd.s32 s1, s30  }
0xba: {  	s0 =	sor.u32 s3, s0;
	s1 =	sshll.u32 s1, $0x11  }
0xbb: {  	s0 =	sor.u32 s1, s0  }
0xbc: {  	s0 =	sadd.s32 $0x8F2B, s0  }
0xbd: {  	[sflag:s0] =	ssyncadd.remote.s32 $0x1  }
0xbe: {  	_ =	sfence.sel $0xFFFF  }
0xbf: {  	[dreg:$0x0] =	wrdreg $0xFFFFFFFF;
	(pc) =	sbr.abs _section_cstart, $3  }
0xc0: {  	[dreg:$0x1] =	wrdreg $0xFFFFFFFF  }
0xc1: {  	_ =	task.clear_ibuf [dreg:s6], $0x2FFFF;
	_ =	strace $0x9FFFFFFF  }
0xc2: {  	(tm) =	ssettm $0x7FFFFFFF  }
0xc3: {  	_ =	shalt  }
tec
execute0_lowered:
.L_overlay_start_1:
0x0: {  	(tag) =	ssettag $0x1  }
0x1: {  	s0 =	srdreg.scid;
	s1 =	rddreg [dreg:$0x0]  }
0x2: {  	s10 =	rddreg [dreg:$0x1];
	s9 =	stileid.u32;
	s2 =	simm.s32 $0x0  }
0x3: {  	s28 =	simm.s32 $0x100;
	s29 =	simm.s32 $0x8200;
	s30 =	simm.s32 $0x80  }
0x4: {  	s31 =	simm.s32 $0x200;
	s12 =	simm.s32 $0x0;
	s0 =	sand.u32 $0x1, s0  }
0x5: {  	s6 =	sshll.u32 s9, $0x5;
	[smem:$0x7FF] =	sst s2;
	s8 =	sshll.u32 s9, $0x7  }
0x6: {  	s11 =	sadd.s32 $0x80, s10;
	s23 =	sadd.s32 $0x100, s10;
	s24 =	sadd.s32 $0x180, s10  }
0x7: {  	s25 =	sadd.s32 $0x200, s10;
	s26 =	sadd.s32 $0x280, s10;
	s14 =	sadd.s32 $0x300, s10  }
0x8: {  	s15 =	sadd.s32 $0x380, s10;
	s16 =	sadd.s32 $0x400, s10;
	s17 =	sadd.s32 $0x480, s10  }
0x9: {  	s18 =	sadd.s32 $0x500, s10;
	_ =	strace $0x80000047;
	[dreg:$0x3] =	wrdreg s11  }
0xa: {  	s19 =	sadd.s32 $0x580, s10;
	s20 =	sadd.s32 $0x600, s10;
	[dreg:$0x4] =	wrdreg s23  }
0xb: {  	s21 =	sadd.s32 $0x680, s10;
	p0 =	sne.s32 s9, $0x0;
	[dreg:$0x5] =	wrdreg s24  }
0xc: {  	s4 =	sshll.u32 s0, $0x4;
	s6 =	sand.u32 $0x60, s6;
	[dreg:$0x6] =	wrdreg s25  }
0xd: {  	s0 =	ssub.s32 $0x2, s0;
	s8 =	sadd.s32 s8, s10;
	[dreg:$0x7] =	wrdreg s26  }
0xe: {  	s23 =	sadd.s32 $0x780, s10;
	s26 =	simm.s32 $0x2;
	s11 =	simm.s32 $0x10200  }
0xf: {  	s5 =	sor.u32 s9, s4;
	s22 =	sshrl.u32 s0, $0x1;
	s9 =	simm.s32 $0x1  }
0x10: {  	s3 =	sshll.u32 s5, $0x5;
	s5 =	sshll.u32 s5, $0xC;
	s0 =	ssub.s32 s0, s22  }
.Ltmp0:
0x11: {  	s22 =	sadd.s32 $0x700, s10;
	s3 =	sand.u32 $0x380, s3;
	(pc) =	sbr.rel .LBB2_1-.Ltmp0, $4  }
0x12: {  	s10 =	simm.s32 $0x180;
	s25 =	smax.u32 s0, $0x1;
	s6 =	sor.u32 s6, s3  }
0x13: {  	s0 =	simm.s32 $0x4200;
	s3 =	sadd.s32 $0xC00, s1;
	s6 =	sadd.s32 s6, s1  }
0x14: {  	s1 =	sadd.s32 s4, s1;
	s5 =	sadd.s32 s3, s5;
	s4 =	sadd.s32 $0x40C00, s6  }
0x15: {  	s6 =	sadd.s32 $0x41000, s6;
	s7 =	sadd.s32 $0x20000, s5;
	s24 =	sadd.s32 $0x41400, s1  }
.LBB2_7:
0x16: {  	s12 =	sadd.s32 $0x1, s12  }
0x17: {  	p1 =	sne.s32 s12, s25  }
.Ltmp1:
0x18: {  	_ = 	snop;
	(pc) =	sbr.rel @!p1 .LBB2_8-.Ltmp1, $1  }
0x19: {  	_ =	sdelay $0x3  }
.LBB2_1:
0x1a: {  	[tilespmem:s2], [sflag:$0x2] =	stream.linear.gather [hbm4b:s4+s2], $0x100, $0x38;
	[tilespmem:$0x10310] =	vst v63  }
0x1b: {  	_ =	swait.ge [sflag:s26], $0x100  }
0x1c: {  	[sflag:s26] =	ssyncset.done $0x0  }
0x1d: {  	[sflag:s26] =	ssyncadd.s32 $0xFFFFFF00  }
0x1e: {  	[tilespmem:s28], [sflag:$0x2] =	stream.linear.gather [hbm4b:s6+s2], $0x100, $0x38;
	[tilespmem:$0x10310] =	vst v63  }
0x1f: {  	_ =	swait.ge [sflag:s26], $0x100  }
0x20: {  	[sflag:s26] =	ssyncset.done $0x0  }
0x21: {  	[sflag:s26] =	ssyncadd.s32 $0xFFFFFF00  }
0x22: {  	[tilespmem:s29], [sflag:$0x1] =	stream.linear.gather [hbm4b:s5+s2], $0x8000, $0x38;
	[tilespmem:$0x10310] =	vst v63  }
0x23: {  	_ = 	snop  }
0x24: {  	[tilespmem:s31], [sflag:$0x1] =	stream.indirect.gather [hbm4b:s3+s30], $0x80, s2, s30, $0xb8;
	[tilespmem:$0x10310] =	vst v63  }
0x25: {  	_ = 	snop  }
0x26: {  	[tilespmem:s0], [sflag:$0x1] =	stream.indirect.gather [hbm4b:s3+s30], $0x80, s30, s30, $0xb8;
	[tilespmem:$0x10310] =	vst v63  }
0x27: {  	_ =	swait.ge [sflag:s9], $0x8000  }
0x28: {  	[sflag:s9] =	ssyncset.done $0x0  }
0x29: {  	[sflag:s9] =	ssyncadd.s32 $0xFFFF8000  }
0x2a: {  	_ =	swait.ge [sflag:s9], $0x4000  }
0x2b: {  	[sflag:s9] =	ssyncset.done $0x0  }
0x2c: {  	[sflag:s9] =	ssyncadd.s32 $0xFFFFC000  }
0x2d: {  	_ =	swait.ge [sflag:s9], $0x4000  }
0x2e: {  	[sflag:s9] =	ssyncset.done $0x0  }
0x2f: {  	s13 =	simm.s32 $0x0;
	[sflag:s9] =	ssyncadd.s32 $0xFFFFC000  }
0x30: {  	v1 =	vld [tilespmem:s13+$0x8200]  }
0x31: {  	v2 =	vld [tilespmem:s13+$0x200];
	_ =	sdelay $0x2  }
0x32: {  	v0 =	vimm.f32 $0.0e+00;
	s1 =	simm.s32 $0x200  }
.LBB2_2:
0x33: {  	s13 =	sshra.s32 s1, $0x2;
	p1 =	sne.s32 s1, $0x1FE00  }
.Ltmp2:
0x34: {  	s1 =	sadd.s32 $0x200, s1;
	v3 =	vsub.f32 v1, v2;
	v1 =	vld [tilespmem:s13+$0x8200];
	(pc) =	sbr.rel @p1 .LBB2_2-.Ltmp2, $3  }
0x35: {  	v2 =	vld [tilespmem:s13+$0x200]  }
0x36: {  	v3 =	vmul.f32 v3, v3;
	_ =	sdelay $0x1  }
0x37: {  	v0 =	vadd.f32 v3, v0  }
0x38: {  	s1 =	simm.s32 $0x0  }
0x39: {  	[tilespmem:s29], [sflag:$0x1] =	stream.linear.gather [hbm4b:s7+s1], $0x8000, $0x38;
	[tilespmem:$0x10310] =	vst v63  }
0x3a: {  	_ = 	snop  }
0x3b: {  	[tilespmem:s31], [sflag:$0x1] =	stream.indirect.gather [hbm4b:s3+s30], $0x80, s28, s30, $0xb8;
	[tilespmem:$0x10310] =	vst v63  }
0x3c: {  	_ = 	snop  }
0x3d: {  	[tilespmem:s0], [sflag:$0x1] =	stream.indirect.gather [hbm4b:s3+s30], $0x80, s10, s30, $0xb8;
	[tilespmem:$0x10310] =	vst v63  }
0x3e: {  	_ =	swait.ge [sflag:s9], $0x8000  }
0x3f: {  	[sflag:s9] =	ssyncset.done $0x0  }
0x40: {  	[sflag:s9] =	ssyncadd.s32 $0xFFFF8000  }
0x41: {  	_ =	swait.ge [sflag:s9], $0x4000  }
0x42: {  	[sflag:s9] =	ssyncset.done $0x0  }
0x43: {  	[sflag:s9] =	ssyncadd.s32 $0xFFFFC000  }
0x44: {  	v1 =	vsub.f32 v1, v2;
	_ =	swait.ge [sflag:s9], $0x4000  }
0x45: {  	[sflag:s9] =	ssyncset.done $0x0  }
0x46: {  	s13 =	simm.s32 $0x0;
	v2 =	vmul.f32 v1, v1;
	[sflag:s9] =	ssyncadd.s32 $0xFFFFC000  }
0x47: {  	v1 =	vld [tilespmem:s13+$0x8200]  }
0x48: {  	v0 =	vadd.f32 v2, v0;
	v2 =	vld [tilespmem:s13+$0x200];
	_ =	sdelay $0x2  }
0x49: {  	s1 =	simm.s32 $0x200  }
.LBB2_4:
0x4a: {  	s13 =	sshra.s32 s1, $0x2;
	p1 =	sne.s32 s1, $0x1FE00  }
.Ltmp3:
0x4b: {  	s1 =	sadd.s32 $0x200, s1;
	v3 =	vsub.f32 v1, v2;
	v1 =	vld [tilespmem:s13+$0x8200];
	(pc) =	sbr.rel @p1 .LBB2_4-.Ltmp3, $3  }
0x4c: {  	v2 =	vld [tilespmem:s13+$0x200]  }
0x4d: {  	v3 =	vmul.f32 v3, v3;
	_ =	sdelay $0x1  }
0x4e: {  	v0 =	vadd.f32 v3, v0  }
0x4f: {  	_ = 	snop  }
0x50: {  	v1 =	vsub.f32 v1, v2;
	_ =	sdelay $0x1  }
0x51: {  	v1 =	vmul.f32 v1, v1;
	_ =	sdelay $0x1  }
0x52: {  	v0 =	vadd.f32 v1, v0;
	_ =	sdelay $0x1  }
0x53: {  	[tilespmem:$0x10200] =	vst v0  }
0x54: {  	[spmem:s8] =	stream.linear.scatter [tilespmem:s11], [sflag:$0x2], $0x80, $0x38;
	[tilespmem:$0x10310] =	vst v63  }
.Ltmp4:
0x55: {  	_ =	swait.ge [sflag:s26], $0x80;
	(pc) =	sbr.rel @p0 .LBB2_7-.Ltmp4, $3  }
0x56: {  	[sflag:s26] =	ssyncset.done $0x0  }
0x57: {  	[sflag:s26] =	ssyncadd.s32 $0xFFFFFF80  }
0x58: {  	[bflag:$0x0] =	sbarrier.arrive $0xFFFF;
	_ =	sdelay $0x1  }
0x59: {  	s1 =	rddreg [dreg:$0x1]  }
0x5a: {  	[tilespmem:s11], [sflag:$0x2] =	stream.linear.gather [spmem:s1], $0x80, $0x38;
	[tilespmem:$0x10310] =	vst v63  }
0x5b: {  	_ =	swait.ge [sflag:s26], $0x80  }
0x5c: {  	[sflag:s26] =	ssyncset.done $0x0  }
0x5d: {  	s13 =	rddreg [dreg:$0x3];
	[sflag:s26] =	ssyncadd.s32 $0xFFFFFF80  }
0x5e: {  	v0 =	vld [tilespmem:$0x10200];
	[tilespmem:s11], [sflag:$0x2] =	stream.linear.gather [spmem:s13], $0x80, $0x38  }
0x5f: {  	_ =	swait.ge [sflag:s26], $0x80  }
0x60: {  	[sflag:s26] =	ssyncset.done $0x0  }
0x61: {  	s13 =	rddreg [dreg:$0x4];
	[sflag:s26] =	ssyncadd.s32 $0xFFFFFF80  }
0x62: {  	v1 =	vld [tilespmem:$0x10200];
	[tilespmem:s11], [sflag:$0x2] =	stream.linear.gather [spmem:s13], $0x80, $0x38  }
0x63: {  	_ =	swait.ge [sflag:s26], $0x80  }
0x64: {  	[sflag:s26] =	ssyncset.done $0x0  }
0x65: {  	s13 =	rddreg [dreg:$0x5];
	[sflag:s26] =	ssyncadd.s32 $0xFFFFFF80  }
0x66: {  	v2 =	vld [tilespmem:$0x10200];
	[tilespmem:s11], [sflag:$0x2] =	stream.linear.gather [spmem:s13], $0x80, $0x38  }
0x67: {  	_ =	swait.ge [sflag:s26], $0x80  }
0x68: {  	[sflag:s26] =	ssyncset.done $0x0  }
0x69: {  	s13 =	rddreg [dreg:$0x6];
	[sflag:s26] =	ssyncadd.s32 $0xFFFFFF80  }
0x6a: {  	v3 =	vld [tilespmem:$0x10200];
	[tilespmem:s11], [sflag:$0x2] =	stream.linear.gather [spmem:s13], $0x80, $0x38  }
0x6b: {  	_ =	swait.ge [sflag:s26], $0x80  }
0x6c: {  	[sflag:s26] =	ssyncset.done $0x0  }
0x6d: {  	s13 =	rddreg [dreg:$0x7];
	[sflag:s26] =	ssyncadd.s32 $0xFFFFFF80  }
0x6e: {  	v4 =	vld [tilespmem:$0x10200];
	[tilespmem:s11], [sflag:$0x2] =	stream.linear.gather [spmem:s13], $0x80, $0x38  }
0x6f: {  	_ =	swait.ge [sflag:s26], $0x80  }
0x70: {  	[sflag:s26] =	ssyncset.done $0x0  }
0x71: {  	[sflag:s26] =	ssyncadd.s32 $0xFFFFFF80  }
0x72: {  	v5 =	vld [tilespmem:$0x10200];
	[tilespmem:s11], [sflag:$0x2] =	stream.linear.gather [spmem:s14], $0x80, $0x38  }
0x73: {  	_ =	swait.ge [sflag:s26], $0x80  }
0x74: {  	[sflag:s26] =	ssyncset.done $0x0  }
0x75: {  	[sflag:s26] =	ssyncadd.s32 $0xFFFFFF80  }
0x76: {  	v6 =	vld [tilespmem:$0x10200];
	[tilespmem:s11], [sflag:$0x2] =	stream.linear.gather [spmem:s15], $0x80, $0x38  }
0x77: {  	_ =	swait.ge [sflag:s26], $0x80  }
0x78: {  	[sflag:s26] =	ssyncset.done $0x0  }
0x79: {  	[sflag:s26] =	ssyncadd.s32 $0xFFFFFF80  }
0x7a: {  	v7 =	vld [tilespmem:$0x10200];
	[tilespmem:s11], [sflag:$0x2] =	stream.linear.gather [spmem:s16], $0x80, $0x38  }
0x7b: {  	_ =	swait.ge [sflag:s26], $0x80  }
0x7c: {  	[sflag:s26] =	ssyncset.done $0x0  }
0x7d: {  	[sflag:s26] =	ssyncadd.s32 $0xFFFFFF80  }
0x7e: {  	v8 =	vld [tilespmem:$0x10200];
	[tilespmem:s11], [sflag:$0x2] =	stream.linear.gather [spmem:s17], $0x80, $0x38  }
0x7f: {  	_ =	swait.ge [sflag:s26], $0x80  }
0x80: {  	[sflag:s26] =	ssyncset.done $0x0  }
0x81: {  	v0 =	vadd.f32 $0.0e+00, v0;
	[sflag:s26] =	ssyncadd.s32 $0xFFFFFF80  }
0x82: {  	v9 =	vld [tilespmem:$0x10200];
	[tilespmem:s11], [sflag:$0x2] =	stream.linear.gather [spmem:s18], $0x80, $0x38  }
0x83: {  	v0 =	vadd.f32 v1, v0;
	_ =	swait.ge [sflag:s26], $0x80  }
0x84: {  	[sflag:s26] =	ssyncset.done $0x0  }
0x85: {  	v0 =	vadd.f32 v2, v0;
	[sflag:s26] =	ssyncadd.s32 $0xFFFFFF80  }
0x86: {  	v10 =	vld [tilespmem:$0x10200];
	[tilespmem:s11], [sflag:$0x2] =	stream.linear.gather [spmem:s19], $0x80, $0x38  }
0x87: {  	v0 =	vadd.f32 v3, v0;
	_ =	swait.ge [sflag:s26], $0x80  }
0x88: {  	[sflag:s26] =	ssyncset.done $0x0  }
0x89: {  	v0 =	vadd.f32 v4, v0;
	[sflag:s26] =	ssyncadd.s32 $0xFFFFFF80  }
0x8a: {  	v59 =	vld [tilespmem:$0x10200];
	[tilespmem:s11], [sflag:$0x2] =	stream.linear.gather [spmem:s20], $0x80, $0x38  }
0x8b: {  	v0 =	vadd.f32 v5, v0;
	_ =	swait.ge [sflag:s26], $0x80  }
0x8c: {  	[sflag:s26] =	ssyncset.done $0x0  }
0x8d: {  	v0 =	vadd.f32 v6, v0;
	[sflag:s26] =	ssyncadd.s32 $0xFFFFFF80  }
0x8e: {  	v60 =	vld [tilespmem:$0x10200];
	[tilespmem:s11], [sflag:$0x2] =	stream.linear.gather [spmem:s21], $0x80, $0x38  }
0x8f: {  	v0 =	vadd.f32 v7, v0;
	_ =	swait.ge [sflag:s26], $0x80  }
0x90: {  	[sflag:s26] =	ssyncset.done $0x0  }
0x91: {  	v0 =	vadd.f32 v8, v0;
	[sflag:s26] =	ssyncadd.s32 $0xFFFFFF80  }
0x92: {  	v61 =	vld [tilespmem:$0x10200];
	[tilespmem:s11], [sflag:$0x2] =	stream.linear.gather [spmem:s22], $0x80, $0x38  }
0x93: {  	v0 =	vadd.f32 v9, v0;
	_ =	swait.ge [sflag:s26], $0x80  }
0x94: {  	[sflag:s26] =	ssyncset.done $0x0  }
0x95: {  	v0 =	vadd.f32 v10, v0;
	[sflag:s26] =	ssyncadd.s32 $0xFFFFFF80  }
0x96: {  	v62 =	vld [tilespmem:$0x10200];
	[tilespmem:s11], [sflag:$0x2] =	stream.linear.gather [spmem:s23], $0x80, $0x38  }
0x97: {  	v0 =	vadd.f32 v59, v0;
	_ =	swait.ge [sflag:s26], $0x80  }
0x98: {  	[sflag:s26] =	ssyncset.done $0x0  }
0x99: {  	v0 =	vadd.f32 v60, v0;
	[sflag:s26] =	ssyncadd.s32 $0xFFFFFF80  }
0x9a: {  	v63 =	vld [tilespmem:$0x10200]  }
0x9b: {  	v0 =	vadd.f32 v61, v0;
	_ =	sdelay $0x1  }
0x9c: {  	v0 =	vadd.f32 v62, v0;
	_ =	sdelay $0x1  }
0x9d: {  	v0 =	vadd.f32 v63, v0;
	_ =	sdelay $0x1  }
0x9e: {  	v0 =	vmul.f32 $1.017252630e-05, v0;
	_ =	sdelay $0x1  }
.Ltmp5:
0x9f: {  	s13 =	simm.s32 $0x10290;
	[tilespmem:$0x10290] =	vst v0;
	(pc) =	sbr.rel .LBB2_7-.Ltmp5, $4  }
0xa0: {  	[hbm4b:s24+s2] =	stream.linear.scatter [tilespmem:s13], [sflag:$0x2], $0x80, $0x38;
	[tilespmem:$0x10310] =	vst v63  }
0xa1: {  	_ =	swait.ge [sflag:s26], $0x80  }
0xa2: {  	[sflag:s26] =	ssyncset.done $0x0  }
0xa3: {  	[sflag:s26] =	ssyncadd.s32 $0xFFFFFF80  }
.LBB2_8:
0xa4: {  	_ =	sfence.sel $0x180000  }
0xa5: {  	[bflag:$0x0] =	sbarrier.arrive $0xFFFF  }
0xa6: {  	_ =	strace $0x90000047  }
0xa7: {  	[bflag:$0x2] =	sbarrier.arrive $0xFFFF  }
0xa8: {  	s0 =	rddreg [dreg:$0x2]  }
0xa9: {  	s0 =	sadd.s32 @!p0 $0x100000, s0  }
0xaa: {  	[sflag:s0] =	ssyncadd.tile.s32 @!p0 $0x1;
	_ =	shalt  }
.Lfunc_end2:
_tile_overlayer_lowered:
.L_overlay_start_2:
0xab: {  	(tag) =	ssettag $0x2  }
0xac: {  	s0 =	rddreg [dreg:$0x0];
	s2 =	stileid.u32  }
0xad: {  	s1 =	rddreg [dreg:$0x1];
	p0 =	sne.s32 s2, $0x0  }
0xae: {  	s3 =	rddreg [dreg:$0x2];
	[bflag:$0x3] =	sbarrier.arrive $0xFFFF;
	s2 =	simm.s32 @!p0 $0x1C02  }
0xaf: {  	[timem:s3], [sflag:s2] =	dma.local @!p0 [hbm:s0], s1  }
0xb0: {  	s0 =	simm.s32 @!p0 $0x2  }
0xb1: {  	_ =	swait.ge @!p0 [sflag:s0], s1  }
0xb2: {  	s1 =	ssub.s32 @!p0 $0x0, s1;
	[sflag:s0] =	ssyncset.done @!p0 $0x0  }
0xb3: {  	[sflag:s0] =	ssyncadd.s32 @!p0 s1  }
0xb4: {  	[bflag:$0x3] =	sbarrier.arrive $0xFFFF  }
0xb5: {  	_ =	shalt  }

</sc_bundles>
